<compile_context>
chip_gen: v7x
topology: tpu7x:2x2x1
jax: 0.10.2.dev20260603
libtpu: 0.0.44.dev20260713+nightly
codegen_flags: <defaults>
</compile_context>

<pallas_src>
import functools

import jax
import jax.numpy as jnp
from jax import lax
from jax.experimental import pallas as pl
from jax.experimental.pallas import tpu as pltpu
from jax.experimental.pallas import tpu_sc as plsc

N = 10000
E = 320000
D = 128
G = 128
CLS = 10

NC = 2
NS = 16
NW = NC * NS
EPW = E // NW
CH = 80
NCHUNK = EPW // CH
GCH = 128
EPT = 10240
EPAD = EPT * NW
NCH2 = EPT // GCH
NPAD = 10240
RPT = NPAD // NS

RB = 2000
NRB = N // RB


def _deg_body(dstp_hbm, ones_hbm, zeros_hbm, out_hbm, da0, da1, ones_rows,
              acc, ss0, ss1):
    cid = lax.axis_index("c")
    sid = lax.axis_index("s")
    wid = sid * NC + cid

    pltpu.sync_copy(ones_hbm, ones_rows)
    pltpu.sync_copy(zeros_hbm, acc.at[pl.ds(sid * RPT, RPT)])
    plsc.subcore_barrier()

    base0 = wid * NCH2
    pltpu.sync_copy(dstp_hbm.at[base0], da0)
    pltpu.sync_copy(dstp_hbm.at[base0 + 1], da1)

    def cbody(g, c):
        k0 = 2 * g
        pltpu.async_copy(ones_rows, acc.at[da0], ss0, add=True)
        pltpu.async_copy(ones_rows, acc.at[da1], ss1, add=True)
        pltpu.make_async_copy(ones_rows, acc.at[da0], ss0).wait()
        pltpu.sync_copy(dstp_hbm.at[base0 + k0 + 2], da0)
        pltpu.make_async_copy(ones_rows, acc.at[da1], ss1).wait()
        pltpu.sync_copy(dstp_hbm.at[base0 + k0 + 3], da1)
        return c

    lax.fori_loop(0, NCH2 // 2 - 1, cbody, 0)
    pltpu.sync_copy(ones_rows, acc.at[da0], add=True)
    pltpu.sync_copy(ones_rows, acc.at[da1], add=True)
    plsc.subcore_barrier()
    pltpu.sync_copy(acc.at[pl.ds(sid * RPT, RPT)],
                    out_hbm.at[pl.ds(cid * NPAD + sid * RPT, RPT)])


def _deg_kernel(dstp, ones, zeros):
    fn = pl.kernel(
        _deg_body,
        mesh=plsc.VectorSubcoreMesh(core_axis_name="c", subcore_axis_name="s"),
        out_type=jax.ShapeDtypeStruct((NC * NPAD, D), jnp.float32),
        scratch_types=[
            pltpu.VMEM((GCH,), jnp.int32),
            pltpu.VMEM((GCH,), jnp.int32),
            pltpu.VMEM((GCH, D), jnp.float32),
            pltpu.VMEM_SHARED((NPAD, D), jnp.float32),
            pltpu.SemaphoreType.DMA,
            pltpu.SemaphoreType.DMA,
        ],
    )
    return fn(dstp, ones, zeros)


def _agg_body(hs_hbm, srcp_hbm, dstp_hbm, zeros_hbm, out_hbm, sa0, da0, sa1,
              da1, rows0, rows1, acc, sg0, sg1, ss0, ss1):
    cid = lax.axis_index("c")
    sid = lax.axis_index("s")
    wid = sid * NC + cid

    pltpu.sync_copy(zeros_hbm, acc.at[pl.ds(sid * RPT, RPT)])
    plsc.subcore_barrier()

    base0 = wid * NCH2

    pltpu.sync_copy(srcp_hbm.at[base0], sa0)
    pltpu.sync_copy(dstp_hbm.at[base0], da0)
    pltpu.async_copy(hs_hbm.at[sa0], rows0, sg0)
    pltpu.sync_copy(srcp_hbm.at[base0 + 1], sa1)
    pltpu.sync_copy(dstp_hbm.at[base0 + 1], da1)
    pltpu.async_copy(hs_hbm.at[sa1], rows1, sg1)

    def body(g, c):
        k0 = 2 * g
        pltpu.make_async_copy(hs_hbm.at[sa0], rows0, sg0).wait()
        pltpu.async_copy(rows0, acc.at[da0], ss0, add=True)
        pltpu.make_async_copy(hs_hbm.at[sa1], rows1, sg1).wait()
        pltpu.async_copy(rows1, acc.at[da1], ss1, add=True)
        pltpu.make_async_copy(rows0, acc.at[da0], ss0).wait()
        pltpu.sync_copy(srcp_hbm.at[base0 + k0 + 2], sa0)
        pltpu.sync_copy(dstp_hbm.at[base0 + k0 + 2], da0)
        pltpu.async_copy(hs_hbm.at[sa0], rows0, sg0)
        pltpu.make_async_copy(rows1, acc.at[da1], ss1).wait()
        pltpu.sync_copy(srcp_hbm.at[base0 + k0 + 3], sa1)
        pltpu.sync_copy(dstp_hbm.at[base0 + k0 + 3], da1)
        pltpu.async_copy(hs_hbm.at[sa1], rows1, sg1)
        return c

    lax.fori_loop(0, NCH2 // 2 - 1, body, 0)

    pltpu.make_async_copy(hs_hbm.at[sa0], rows0, sg0).wait()
    pltpu.sync_copy(rows0, acc.at[da0], add=True)
    pltpu.make_async_copy(hs_hbm.at[sa1], rows1, sg1).wait()
    pltpu.sync_copy(rows1, acc.at[da1], add=True)

    plsc.subcore_barrier()
    pltpu.sync_copy(acc.at[pl.ds(sid * RPT, RPT)],
                    out_hbm.at[pl.ds(cid * NPAD + sid * RPT, RPT)])


def _agg_kernel(hs, srcp, dstp, zeros):
    fn = pl.kernel(
        _agg_body,
        mesh=plsc.VectorSubcoreMesh(core_axis_name="c", subcore_axis_name="s"),
        out_type=jax.ShapeDtypeStruct((NC * NPAD, D), jnp.float32),
        scratch_types=[
            pltpu.VMEM((GCH,), jnp.int32),
            pltpu.VMEM((GCH,), jnp.int32),
            pltpu.VMEM((GCH,), jnp.int32),
            pltpu.VMEM((GCH,), jnp.int32),
            pltpu.VMEM((GCH, D), jnp.float32),
            pltpu.VMEM((GCH, D), jnp.float32),
            pltpu.VMEM_SHARED((NPAD, D), jnp.float32),
            pltpu.SemaphoreType.DMA,
            pltpu.SemaphoreType.DMA,
            pltpu.SemaphoreType.DMA,
            pltpu.SemaphoreType.DMA,
        ],
    )
    return fn(hs, srcp, dstp, zeros)



def _mm1_body(x_ref, w_ref, dpa_ref, dpb_ref, hs_ref, dv_ref):
    dv = lax.rsqrt(dpa_ref[...] + dpb_ref[...] + 1.0)
    dv_ref[...] = dv
    h = jnp.dot(x_ref[...], w_ref[...], preferred_element_type=jnp.float32)
    hs_ref[...] = h * dv


def _mm1(x, W1, dpa, dpb):
    return pl.pallas_call(
        _mm1_body,
        grid=(NRB,),
        in_specs=[
            pl.BlockSpec((RB, D), lambda i: (i, 0)),
            pl.BlockSpec((D, D), lambda i: (0, 0)),
            pl.BlockSpec((RB, D), lambda i: (i, 0)),
            pl.BlockSpec((RB, D), lambda i: (i, 0)),
        ],
        out_specs=[
            pl.BlockSpec((RB, D), lambda i: (i, 0)),
            pl.BlockSpec((RB, D), lambda i: (i, 0)),
        ],
        out_shape=[
            jax.ShapeDtypeStruct((N, D), jnp.float32),
            jax.ShapeDtypeStruct((N, D), jnp.float32),
        ],
    )(x, W1, dpa, dpb)


def _mid_body(a_ref, b_ref, hs_ref, dv_ref, b1_ref, w2_ref, out_ref):
    t = dv_ref[...] * (a_ref[...] + b_ref[...] + hs_ref[...]) + b1_ref[...]
    h = jnp.maximum(t, 0.0)
    out_ref[...] = jnp.dot(h, w2_ref[...],
                           preferred_element_type=jnp.float32) * dv_ref[...]


def _mid(s1a, s1b, hs1, dinv2, b1, W2):
    return pl.pallas_call(
        _mid_body,
        grid=(NRB,),
        in_specs=[
            pl.BlockSpec((RB, D), lambda i: (i, 0)),
            pl.BlockSpec((RB, D), lambda i: (i, 0)),
            pl.BlockSpec((RB, D), lambda i: (i, 0)),
            pl.BlockSpec((RB, D), lambda i: (i, 0)),
            pl.BlockSpec((1, D), lambda i: (0, 0)),
            pl.BlockSpec((D, D), lambda i: (0, 0)),
        ],
        out_specs=pl.BlockSpec((RB, D), lambda i: (i, 0)),
        out_shape=jax.ShapeDtypeStruct((N, D), jnp.float32),
    )(s1a, s1b, hs1, dinv2, b1, W2)


def _final_body(a_ref, b_ref, hs_ref, dv_ref, b2_ref, bf_ref, wfc_ref, bfc_ref,
                out_ref, sumsT, cnts):
    i = pl.program_id(0)

    @pl.when(i == 0)
    def _():
        sumsT[...] = jnp.zeros((D, G), jnp.float32)
        cnts[...] = jnp.zeros((1, G), jnp.float32)

    t = dv_ref[...] * (a_ref[...] + b_ref[...] + hs_ref[...]) + b2_ref[...]
    h = jnp.maximum(t, 0.0)
    bval = bf_ref[...]
    gid = lax.broadcasted_iota(jnp.int32, (RB, G), 1).astype(jnp.float32)
    oh = jnp.where(bval == gid, 1.0, 0.0)
    sumsT[...] += lax.dot_general(h, oh, (((0,), (0,)), ((), ())),
                                  preferred_element_type=jnp.float32)
    cnts[...] += lax.dot_general(jnp.ones((1, RB), jnp.float32), oh,
                                 (((1,), (0,)), ((), ())),
                                 preferred_element_type=jnp.float32)

    @pl.when(i == NRB - 1)
    def _():
        embT = sumsT[...] / jnp.maximum(cnts[...], 1.0)
        out_ref[...] = lax.dot_general(embT, wfc_ref[...],
                                       (((0,), (0,)), ((), ())),
                                       preferred_element_type=jnp.float32
                                       ) + bfc_ref[...]


def _final(s2a, s2b, hs2, dinv2, b2, batchf, Wfc, bfc):
    return pl.pallas_call(
        _final_body,
        grid=(NRB,),
        in_specs=[
            pl.BlockSpec((RB, D), lambda i: (i, 0)),
            pl.BlockSpec((RB, D), lambda i: (i, 0)),
            pl.BlockSpec((RB, D), lambda i: (i, 0)),
            pl.BlockSpec((RB, D), lambda i: (i, 0)),
            pl.BlockSpec((1, D), lambda i: (0, 0)),
            pl.BlockSpec((RB, G), lambda i: (i, 0)),
            pl.BlockSpec((D, CLS), lambda i: (0, 0)),
            pl.BlockSpec((1, CLS), lambda i: (0, 0)),
        ],
        out_specs=pl.BlockSpec((G, CLS), lambda i: (0, 0)),
        out_shape=jax.ShapeDtypeStruct((G, CLS), jnp.float32),
        scratch_shapes=[
            pltpu.VMEM((D, G), jnp.float32),
            pltpu.VMEM((1, G), jnp.float32),
        ],
    )(s2a, s2b, hs2, dinv2, b2, batchf, Wfc, bfc)



def kernel(x, edge_index, batch, W1, b1, W2, b2, Wfc, bfc):
    ei = edge_index.astype(jnp.int32)
    src = ei[0]
    dst = ei[1]
    batchf = jnp.broadcast_to(batch.astype(jnp.float32)[:, None], (N, G))
    zeros = jnp.zeros((RPT, D), jnp.float32)
    ones = jnp.ones((GCH, D), jnp.float32)
    pad = EPAD - E
    fill = jnp.arange(pad, dtype=jnp.int32)
    srcp = jnp.concatenate([src, fill % N]).reshape(NW * NCH2, GCH)
    dstp = jnp.concatenate([dst, N + fill % (NPAD - N)]).reshape(NW * NCH2, GCH)

    dp = _deg_kernel(dstp, ones, zeros)
    hs1, dinv2 = _mm1(x, W1, dp[:N], dp[NPAD:NPAD + N])
    s1 = _agg_kernel(hs1, srcp, dstp, zeros)
    hs2 = _mid(s1[:N], s1[NPAD:NPAD + N], hs1, dinv2, b1.reshape(1, D), W2)
    s2 = _agg_kernel(hs2, srcp, dstp, zeros)
    return _final(s2[:N], s2[NPAD:NPAD + N], hs2, dinv2, b2.reshape(1, D),
                  batchf, Wfc, bfc.reshape(1, CLS))

# --- scband reference (transcript-rebuilt; emitter-appended) ---
"""Pipeline reference for scband-structure2-vec-8993661518205 (READ-ONLY COPY).

The authoritative reference and input builder live on the scoring server;
editing this copy changes nothing except your own understanding.
"""

import jax, jax.numpy as jnp
import numpy as np

N_NODES = 10000
N_EDGES = 320000
D_FEAT = 128
HIDDEN = 128
NUM_CLASSES = 10
NUM_GRAPHS = 128


def setup_inputs(seed: int = 0) -> dict:
    key = jax.random.key(seed)
    ks = jax.random.split(key, 10)
    x = jax.random.normal(ks[0], (N_NODES, D_FEAT), dtype=jnp.float32)
    edge_index = jax.random.randint(ks[1], (2, N_EDGES), 0, N_NODES, dtype=jnp.int64)
    batch = jnp.sort(jax.random.randint(ks[2], (N_NODES,), 0, NUM_GRAPHS, dtype=jnp.int64))
    s1 = 1.0 / np.sqrt(D_FEAT)
    s2 = 1.0 / np.sqrt(HIDDEN)
    W1 = jax.random.uniform(ks[3], (D_FEAT, HIDDEN), jnp.float32, -s1, s1)
    b1 = jnp.zeros((HIDDEN,), jnp.float32)
    W2 = jax.random.uniform(ks[4], (HIDDEN, HIDDEN), jnp.float32, -s2, s2)
    b2 = jnp.zeros((HIDDEN,), jnp.float32)
    Wfc = jax.random.uniform(ks[5], (HIDDEN, NUM_CLASSES), jnp.float32, -s2, s2)
    bfc = jax.random.uniform(ks[6], (NUM_CLASSES,), jnp.float32, -s2, s2)
    return {"x": x, "edge_index": edge_index, "batch": batch,
            "W1": W1, "b1": b1, "W2": W2, "b2": b2, "Wfc": Wfc, "bfc": bfc}


def _gcn_conv(x, edge_index, W, b):
    # PyG GCNConv: linear transform, add self-loops, symmetric normalization, scatter-add aggregate
    n = x.shape[0]
    h = x @ W
    loop = jnp.arange(n, dtype=edge_index.dtype)
    src = jnp.concatenate([edge_index[0], loop])
    dst = jnp.concatenate([edge_index[1], loop])
    deg = jnp.zeros((n,), h.dtype).at[dst].add(1.0)
    dinv = jnp.where(deg > 0, jax.lax.rsqrt(deg), 0.0)
    norm = dinv[src] * dinv[dst]
    msg = h[src] * norm[:, None]
    out = jnp.zeros_like(h).at[dst].add(msg)
    return out + b


def reference(x, edge_index, batch, W1, b1, W2, b2, Wfc, bfc):
    h = jax.nn.relu(_gcn_conv(x, edge_index, W1, b1))
    h = jax.nn.relu(_gcn_conv(h, edge_index, W2, b2))
    sums = jax.ops.segment_sum(h, batch, num_segments=NUM_GRAPHS)
    counts = jax.ops.segment_sum(jnp.ones((h.shape[0], 1), h.dtype), batch, num_segments=NUM_GRAPHS)
    graph_embedding = sums / jnp.clip(counts, 1.0, None)
    return graph_embedding @ Wfc + bfc

if __name__ == "__main__":
    import jax
    _d = setup_inputs()
    print(jax.jit(kernel)(*tuple(_d.values())))

</pallas_src>

<mosaic_0001>
#map = affine_map<(d0, d1) -> (0, 0)>
module attributes {stable_mosaic.version = 14 : i64} {
  func.func @_deg_body(%arg0: i32, %arg1: i32, %arg2: memref<2560x128xi32, #tpu.memory_space<hbm>>, %arg3: memref<128x128xf32, #tpu.memory_space<hbm>>, %arg4: memref<640x128xf32, #tpu.memory_space<hbm>>, %arg5: memref<20480x128xf32, #tpu.memory_space<hbm>>, %arg6: memref<128xi32, #tpu.memory_space<vmem>>, %arg7: memref<128xi32, #tpu.memory_space<vmem>>, %arg8: memref<128x128xf32, #tpu.memory_space<vmem>>, %arg9: memref<10240x128xf32, #tpu.memory_space<vmem_shared>>, %arg10: memref<!tpu.dma_semaphore, #tpu.memory_space<semaphore_mem>>, %arg11: memref<!tpu.dma_semaphore, #tpu.memory_space<semaphore_mem>>) attributes {dimension_semantics = [#tpu.dimension_semantics<core_parallel>, #tpu.dimension_semantics<subcore_parallel>], iteration_bounds = array<i64: 2, 16>, scalar_prefetch = 0 : i64, scratch_operands = 6 : i64, tpu.core_type = #tpu.core_type<sc_vector_subcore>, window_params = [{transform_indices = #map}, {transform_indices = #map}, {transform_indices = #map}, {transform_indices = #map}]} {
    %mul3A = arith.constant 2 : i32
    %mul3A_0 = arith.muli %arg1, %mul3A : i32
    %add3A = arith.addi %mul3A_0, %arg0 : i32
    "tpu.region"() ({
      %run_scoped3A = tpu.sem_alloc : memref<!tpu.dma_semaphore, #tpu.memory_space<semaphore_mem>>
      tpu.enqueue_dma source(%arg3 : memref<128x128xf32, #tpu.memory_space<hbm>>) target(%arg8 : memref<128x128xf32, #tpu.memory_space<vmem>>) target_semaphore(%run_scoped3A : memref<!tpu.dma_semaphore, #tpu.memory_space<semaphore_mem>>)
      tpu.wait_dma2 semaphore(%run_scoped3A : memref<!tpu.dma_semaphore, #tpu.memory_space<semaphore_mem>>) src(%arg3 : memref<128x128xf32, #tpu.memory_space<hbm>>) dst(%arg8 : memref<128x128xf32, #tpu.memory_space<vmem>>)
      tpu.yield
    }) : () -> ()
    %mul3A_1 = arith.constant 640 : i32
    %mul3A_2 = arith.muli %arg1, %mul3A_1 : i32
    "tpu.region"() ({
      %run_scoped3A = tpu.sem_alloc : memref<!tpu.dma_semaphore, #tpu.memory_space<semaphore_mem>>
      %dma_start3A = arith.constant 0 : i32
      %dma_start3A_20 = tpu.memref_slice %arg9[%mul3A_2, %dma_start3A] : memref<10240x128xf32, #tpu.memory_space<vmem_shared>> -> memref<640x128xf32, #tpu.memory_space<vmem_shared>>
      tpu.enqueue_dma source(%arg4 : memref<640x128xf32, #tpu.memory_space<hbm>>) target(%dma_start3A_20 : memref<640x128xf32, #tpu.memory_space<vmem_shared>>) target_semaphore(%run_scoped3A : memref<!tpu.dma_semaphore, #tpu.memory_space<semaphore_mem>>)
      %dma_wait3A = arith.constant 0 : i32
      %dma_wait3A_21 = tpu.memref_slice %arg9[%mul3A_2, %dma_wait3A] : memref<10240x128xf32, #tpu.memory_space<vmem_shared>> -> memref<640x128xf32, #tpu.memory_space<vmem_shared>>
      tpu.wait_dma2 semaphore(%run_scoped3A : memref<!tpu.dma_semaphore, #tpu.memory_space<semaphore_mem>>) src(%arg4 : memref<640x128xf32, #tpu.memory_space<hbm>>) dst(%dma_wait3A_21 : memref<640x128xf32, #tpu.memory_space<vmem_shared>>)
      tpu.yield
    }) : () -> ()
    %barrier3A = arith.constant 0 : index
    tpu.barrier barrier_id(%barrier3A)
    %mul3A_3 = arith.constant 80 : i32
    %mul3A_4 = arith.muli %add3A, %mul3A_3 : i32
    "tpu.region"() ({
      %run_scoped3A = tpu.sem_alloc : memref<!tpu.dma_semaphore, #tpu.memory_space<semaphore_mem>>
      %dma_start3A = arith.constant 0 : i32
      %dma_start3A_20 = tpu.memref_slice %arg2[%mul3A_4, %dma_start3A] : memref<2560x128xi32, #tpu.memory_space<hbm>> -> memref<1x128xi32, #tpu.memory_space<hbm>>
      %dma_start3A_21 = tpu.memref_squeeze %dma_start3A_20 : memref<1x128xi32, #tpu.memory_space<hbm>> -> memref<128xi32, #tpu.memory_space<hbm>>
      %dma_start3A_22 = arith.constant 0 : i32
      %dma_start3A_23 = tpu.memref_slice %arg2[%mul3A_4, %dma_start3A_22] : memref<2560x128xi32, #tpu.memory_space<hbm>> -> memref<1x128xi32, #tpu.memory_space<hbm>>
      %dma_start3A_24 = tpu.memref_squeeze %dma_start3A_23 : memref<1x128xi32, #tpu.memory_space<hbm>> -> memref<128xi32, #tpu.memory_space<hbm>>
      tpu.enqueue_dma source(%dma_start3A_24 : memref<128xi32, #tpu.memory_space<hbm>>) target(%arg6 : memref<128xi32, #tpu.memory_space<vmem>>) target_semaphore(%run_scoped3A : memref<!tpu.dma_semaphore, #tpu.memory_space<semaphore_mem>>)
      %dma_wait3A = arith.constant 0 : i32
      %dma_wait3A_25 = tpu.memref_slice %arg2[%mul3A_4, %dma_wait3A] : memref<2560x128xi32, #tpu.memory_space<hbm>> -> memref<1x128xi32, #tpu.memory_space<hbm>>
      %dma_wait3A_26 = tpu.memref_squeeze %dma_wait3A_25 : memref<1x128xi32, #tpu.memory_space<hbm>> -> memref<128xi32, #tpu.memory_space<hbm>>
      %dma_wait3A_27 = arith.constant 0 : i32
      %dma_wait3A_28 = tpu.memref_slice %arg2[%mul3A_4, %dma_wait3A_27] : memref<2560x128xi32, #tpu.memory_space<hbm>> -> memref<1x128xi32, #tpu.memory_space<hbm>>
      %dma_wait3A_29 = tpu.memref_squeeze %dma_wait3A_28 : memref<1x128xi32, #tpu.memory_space<hbm>> -> memref<128xi32, #tpu.memory_space<hbm>>
      tpu.wait_dma2 semaphore(%run_scoped3A : memref<!tpu.dma_semaphore, #tpu.memory_space<semaphore_mem>>) src(%dma_wait3A_29 : memref<128xi32, #tpu.memory_space<hbm>>) dst(%arg6 : memref<128xi32, #tpu.memory_space<vmem>>)
      tpu.yield
    }) : () -> ()
    %add3A_5 = arith.constant 1 : i32
    %add3A_6 = arith.addi %mul3A_4, %add3A_5 : i32
    "tpu.region"() ({
      %run_scoped3A = tpu.sem_alloc : memref<!tpu.dma_semaphore, #tpu.memory_space<semaphore_mem>>
      %dma_start3A = arith.constant 0 : i32
      %dma_start3A_20 = tpu.memref_slice %arg2[%add3A_6, %dma_start3A] : memref<2560x128xi32, #tpu.memory_space<hbm>> -> memref<1x128xi32, #tpu.memory_space<hbm>>
      %dma_start3A_21 = tpu.memref_squeeze %dma_start3A_20 : memref<1x128xi32, #tpu.memory_space<hbm>> -> memref<128xi32, #tpu.memory_space<hbm>>
      %dma_start3A_22 = arith.constant 0 : i32
      %dma_start3A_23 = tpu.memref_slice %arg2[%add3A_6, %dma_start3A_22] : memref<2560x128xi32, #tpu.memory_space<hbm>> -> memref<1x128xi32, #tpu.memory_space<hbm>>
      %dma_start3A_24 = tpu.memref_squeeze %dma_start3A_23 : memref<1x128xi32, #tpu.memory_space<hbm>> -> memref<128xi32, #tpu.memory_space<hbm>>
      tpu.enqueue_dma source(%dma_start3A_24 : memref<128xi32, #tpu.memory_space<hbm>>) target(%arg7 : memref<128xi32, #tpu.memory_space<vmem>>) target_semaphore(%run_scoped3A : memref<!tpu.dma_semaphore, #tpu.memory_space<semaphore_mem>>)
      %dma_wait3A = arith.constant 0 : i32
      %dma_wait3A_25 = tpu.memref_slice %arg2[%add3A_6, %dma_wait3A] : memref<2560x128xi32, #tpu.memory_space<hbm>> -> memref<1x128xi32, #tpu.memory_space<hbm>>
      %dma_wait3A_26 = tpu.memref_squeeze %dma_wait3A_25 : memref<1x128xi32, #tpu.memory_space<hbm>> -> memref<128xi32, #tpu.memory_space<hbm>>
      %dma_wait3A_27 = arith.constant 0 : i32
      %dma_wait3A_28 = tpu.memref_slice %arg2[%add3A_6, %dma_wait3A_27] : memref<2560x128xi32, #tpu.memory_space<hbm>> -> memref<1x128xi32, #tpu.memory_space<hbm>>
      %dma_wait3A_29 = tpu.memref_squeeze %dma_wait3A_28 : memref<1x128xi32, #tpu.memory_space<hbm>> -> memref<128xi32, #tpu.memory_space<hbm>>
      tpu.wait_dma2 semaphore(%run_scoped3A : memref<!tpu.dma_semaphore, #tpu.memory_space<semaphore_mem>>) src(%dma_wait3A_29 : memref<128xi32, #tpu.memory_space<hbm>>) dst(%arg7 : memref<128xi32, #tpu.memory_space<vmem>>)
      tpu.yield
    }) : () -> ()
    %scan3A = arith.constant 0 : i32
    %scan3A_7 = arith.constant 0 : i32
    %scan3A_8 = arith.constant 39 : i32
    %scan3A_9 = arith.addi %scan3A_7, %scan3A_8 : i32
    %scan3A_10 = arith.constant 1 : i32
    scf.for %scan3A_20 = %scan3A_7 to %scan3A_9 step %scan3A_10  : i32 {
      %mul3A_21 = arith.constant 2 : i32
      %mul3A_22 = arith.muli %mul3A_21, %scan3A_20 : i32
      %dma_start3A = arith.constant 0 : i32
      %dma_start3A_23 = arith.constant 0 : i32
      %dma_start3A_24 = tpu.memref_slice %arg9[%dma_start3A, %dma_start3A_23] : memref<10240x128xf32, #tpu.memory_space<vmem_shared>> -> memref<10240x128xf32, #tpu.memory_space<vmem_shared>>
      tpu.enqueue_indirect_dma source(%arg8 : memref<128x128xf32, #tpu.memory_space<vmem>>) target(%dma_start3A_24 : memref<10240x128xf32, #tpu.memory_space<vmem_shared>>) offsets(%arg6 : memref<128xi32, #tpu.memory_space<vmem>>) semaphore(%arg10 : memref<!tpu.dma_semaphore, #tpu.memory_space<semaphore_mem>>) {add = true}
      %dma_start3A_25 = arith.constant 0 : i32
      %dma_start3A_26 = arith.constant 0 : i32
      %dma_start3A_27 = tpu.memref_slice %arg9[%dma_start3A_25, %dma_start3A_26] : memref<10240x128xf32, #tpu.memory_space<vmem_shared>> -> memref<10240x128xf32, #tpu.memory_space<vmem_shared>>
      tpu.enqueue_indirect_dma source(%arg8 : memref<128x128xf32, #tpu.memory_space<vmem>>) target(%dma_start3A_27 : memref<10240x128xf32, #tpu.memory_space<vmem_shared>>) offsets(%arg7 : memref<128xi32, #tpu.memory_space<vmem>>) semaphore(%arg11 : memref<!tpu.dma_semaphore, #tpu.memory_space<semaphore_mem>>) {add = true}
      %dma_wait3A = arith.constant 0 : i32
      %dma_wait3A_28 = arith.constant 0 : i32
      %dma_wait3A_29 = tpu.memref_slice %arg9[%dma_wait3A, %dma_wait3A_28] : memref<10240x128xf32, #tpu.memory_space<vmem_shared>> -> memref<10240x128xf32, #tpu.memory_space<vmem_shared>>
      tpu.wait_indirect_dma semaphore(%arg10 : memref<!tpu.dma_semaphore, #tpu.memory_space<semaphore_mem>>) src(%arg8 : memref<128x128xf32, #tpu.memory_space<vmem>>) dst(%dma_wait3A_29 : memref<10240x128xf32, #tpu.memory_space<vmem_shared>>)
      %add3A_30 = arith.addi %mul3A_4, %mul3A_22 : i32
      %add3A_31 = arith.constant 2 : i32
      %add3A_32 = arith.addi %add3A_30, %add3A_31 : i32
      "tpu.region"() ({
        %run_scoped3A = tpu.sem_alloc : memref<!tpu.dma_semaphore, #tpu.memory_space<semaphore_mem>>
        %dma_start3A_39 = arith.constant 0 : i32
        %dma_start3A_40 = tpu.memref_slice %arg2[%add3A_32, %dma_start3A_39] : memref<2560x128xi32, #tpu.memory_space<hbm>> -> memref<1x128xi32, #tpu.memory_space<hbm>>
        %dma_start3A_41 = tpu.memref_squeeze %dma_start3A_40 : memref<1x128xi32, #tpu.memory_space<hbm>> -> memref<128xi32, #tpu.memory_space<hbm>>
        %dma_start3A_42 = arith.constant 0 : i32
        %dma_start3A_43 = tpu.memref_slice %arg2[%add3A_32, %dma_start3A_42] : memref<2560x128xi32, #tpu.memory_space<hbm>> -> memref<1x128xi32, #tpu.memory_space<hbm>>
        %dma_start3A_44 = tpu.memref_squeeze %dma_start3A_43 : memref<1x128xi32, #tpu.memory_space<hbm>> -> memref<128xi32, #tpu.memory_space<hbm>>
        tpu.enqueue_dma source(%dma_start3A_44 : memref<128xi32, #tpu.memory_space<hbm>>) target(%arg6 : memref<128xi32, #tpu.memory_space<vmem>>) target_semaphore(%run_scoped3A : memref<!tpu.dma_semaphore, #tpu.memory_space<semaphore_mem>>)
        %dma_wait3A_45 = arith.constant 0 : i32
        %dma_wait3A_46 = tpu.memref_slice %arg2[%add3A_32, %dma_wait3A_45] : memref<2560x128xi32, #tpu.memory_space<hbm>> -> memref<1x128xi32, #tpu.memory_space<hbm>>
        %dma_wait3A_47 = tpu.memref_squeeze %dma_wait3A_46 : memref<1x128xi32, #tpu.memory_space<hbm>> -> memref<128xi32, #tpu.memory_space<hbm>>
        %dma_wait3A_48 = arith.constant 0 : i32
        %dma_wait3A_49 = tpu.memref_slice %arg2[%add3A_32, %dma_wait3A_48] : memref<2560x128xi32, #tpu.memory_space<hbm>> -> memref<1x128xi32, #tpu.memory_space<hbm>>
        %dma_wait3A_50 = tpu.memref_squeeze %dma_wait3A_49 : memref<1x128xi32, #tpu.memory_space<hbm>> -> memref<128xi32, #tpu.memory_space<hbm>>
        tpu.wait_dma2 semaphore(%run_scoped3A : memref<!tpu.dma_semaphore, #tpu.memory_space<semaphore_mem>>) src(%dma_wait3A_50 : memref<128xi32, #tpu.memory_space<hbm>>) dst(%arg6 : memref<128xi32, #tpu.memory_space<vmem>>)
        tpu.yield
      }) : () -> ()
      %dma_wait3A_33 = arith.constant 0 : i32
      %dma_wait3A_34 = arith.constant 0 : i32
      %dma_wait3A_35 = tpu.memref_slice %arg9[%dma_wait3A_33, %dma_wait3A_34] : memref<10240x128xf32, #tpu.memory_space<vmem_shared>> -> memref<10240x128xf32, #tpu.memory_space<vmem_shared>>
      tpu.wait_indirect_dma semaphore(%arg11 : memref<!tpu.dma_semaphore, #tpu.memory_space<semaphore_mem>>) src(%arg8 : memref<128x128xf32, #tpu.memory_space<vmem>>) dst(%dma_wait3A_35 : memref<10240x128xf32, #tpu.memory_space<vmem_shared>>)
      %add3A_36 = arith.addi %mul3A_4, %mul3A_22 : i32
      %add3A_37 = arith.constant 3 : i32
      %add3A_38 = arith.addi %add3A_36, %add3A_37 : i32
      "tpu.region"() ({
        %run_scoped3A = tpu.sem_alloc : memref<!tpu.dma_semaphore, #tpu.memory_space<semaphore_mem>>
        %dma_start3A_39 = arith.constant 0 : i32
        %dma_start3A_40 = tpu.memref_slice %arg2[%add3A_38, %dma_start3A_39] : memref<2560x128xi32, #tpu.memory_space<hbm>> -> memref<1x128xi32, #tpu.memory_space<hbm>>
        %dma_start3A_41 = tpu.memref_squeeze %dma_start3A_40 : memref<1x128xi32, #tpu.memory_space<hbm>> -> memref<128xi32, #tpu.memory_space<hbm>>
        %dma_start3A_42 = arith.constant 0 : i32
        %dma_start3A_43 = tpu.memref_slice %arg2[%add3A_38, %dma_start3A_42] : memref<2560x128xi32, #tpu.memory_space<hbm>> -> memref<1x128xi32, #tpu.memory_space<hbm>>
        %dma_start3A_44 = tpu.memref_squeeze %dma_start3A_43 : memref<1x128xi32, #tpu.memory_space<hbm>> -> memref<128xi32, #tpu.memory_space<hbm>>
        tpu.enqueue_dma source(%dma_start3A_44 : memref<128xi32, #tpu.memory_space<hbm>>) target(%arg7 : memref<128xi32, #tpu.memory_space<vmem>>) target_semaphore(%run_scoped3A : memref<!tpu.dma_semaphore, #tpu.memory_space<semaphore_mem>>)
        %dma_wait3A_45 = arith.constant 0 : i32
        %dma_wait3A_46 = tpu.memref_slice %arg2[%add3A_38, %dma_wait3A_45] : memref<2560x128xi32, #tpu.memory_space<hbm>> -> memref<1x128xi32, #tpu.memory_space<hbm>>
        %dma_wait3A_47 = tpu.memref_squeeze %dma_wait3A_46 : memref<1x128xi32, #tpu.memory_space<hbm>> -> memref<128xi32, #tpu.memory_space<hbm>>
        %dma_wait3A_48 = arith.constant 0 : i32
        %dma_wait3A_49 = tpu.memref_slice %arg2[%add3A_38, %dma_wait3A_48] : memref<2560x128xi32, #tpu.memory_space<hbm>> -> memref<1x128xi32, #tpu.memory_space<hbm>>
        %dma_wait3A_50 = tpu.memref_squeeze %dma_wait3A_49 : memref<1x128xi32, #tpu.memory_space<hbm>> -> memref<128xi32, #tpu.memory_space<hbm>>
        tpu.wait_dma2 semaphore(%run_scoped3A : memref<!tpu.dma_semaphore, #tpu.memory_space<semaphore_mem>>) src(%dma_wait3A_50 : memref<128xi32, #tpu.memory_space<hbm>>) dst(%arg7 : memref<128xi32, #tpu.memory_space<vmem>>)
        tpu.yield
      }) : () -> ()
    }
    %scan3A_11 = arith.constant 39 : i32
    "tpu.region"() ({
      %run_scoped3A = tpu.sem_alloc : memref<!tpu.dma_semaphore, #tpu.memory_space<semaphore_mem>>
      %dma_start3A = arith.constant 0 : i32
      %dma_start3A_20 = arith.constant 0 : i32
      %dma_start3A_21 = tpu.memref_slice %arg9[%dma_start3A, %dma_start3A_20] : memref<10240x128xf32, #tpu.memory_space<vmem_shared>> -> memref<10240x128xf32, #tpu.memory_space<vmem_shared>>
      tpu.enqueue_indirect_dma source(%arg8 : memref<128x128xf32, #tpu.memory_space<vmem>>) target(%dma_start3A_21 : memref<10240x128xf32, #tpu.memory_space<vmem_shared>>) offsets(%arg6 : memref<128xi32, #tpu.memory_space<vmem>>) semaphore(%run_scoped3A : memref<!tpu.dma_semaphore, #tpu.memory_space<semaphore_mem>>) {add = true}
      %dma_wait3A = arith.constant 0 : i32
      %dma_wait3A_22 = arith.constant 0 : i32
      %dma_wait3A_23 = tpu.memref_slice %arg9[%dma_wait3A, %dma_wait3A_22] : memref<10240x128xf32, #tpu.memory_space<vmem_shared>> -> memref<10240x128xf32, #tpu.memory_space<vmem_shared>>
      tpu.wait_indirect_dma semaphore(%run_scoped3A : memref<!tpu.dma_semaphore, #tpu.memory_space<semaphore_mem>>) src(%arg8 : memref<128x128xf32, #tpu.memory_space<vmem>>) dst(%dma_wait3A_23 : memref<10240x128xf32, #tpu.memory_space<vmem_shared>>)
      tpu.yield
    }) : () -> ()
    "tpu.region"() ({
      %run_scoped3A = tpu.sem_alloc : memref<!tpu.dma_semaphore, #tpu.memory_space<semaphore_mem>>
      %dma_start3A = arith.constant 0 : i32
      %dma_start3A_20 = arith.constant 0 : i32
      %dma_start3A_21 = tpu.memref_slice %arg9[%dma_start3A, %dma_start3A_20] : memref<10240x128xf32, #tpu.memory_space<vmem_shared>> -> memref<10240x128xf32, #tpu.memory_space<vmem_shared>>
      tpu.enqueue_indirect_dma source(%arg8 : memref<128x128xf32, #tpu.memory_space<vmem>>) target(%dma_start3A_21 : memref<10240x128xf32, #tpu.memory_space<vmem_shared>>) offsets(%arg7 : memref<128xi32, #tpu.memory_space<vmem>>) semaphore(%run_scoped3A : memref<!tpu.dma_semaphore, #tpu.memory_space<semaphore_mem>>) {add = true}
      %dma_wait3A = arith.constant 0 : i32
      %dma_wait3A_22 = arith.constant 0 : i32
      %dma_wait3A_23 = tpu.memref_slice %arg9[%dma_wait3A, %dma_wait3A_22] : memref<10240x128xf32, #tpu.memory_space<vmem_shared>> -> memref<10240x128xf32, #tpu.memory_space<vmem_shared>>
      tpu.wait_indirect_dma semaphore(%run_scoped3A : memref<!tpu.dma_semaphore, #tpu.memory_space<semaphore_mem>>) src(%arg8 : memref<128x128xf32, #tpu.memory_space<vmem>>) dst(%dma_wait3A_23 : memref<10240x128xf32, #tpu.memory_space<vmem_shared>>)
      tpu.yield
    }) : () -> ()
    %barrier3A_12 = arith.constant 0 : index
    tpu.barrier barrier_id(%barrier3A_12)
    %mul3A_13 = arith.constant 640 : i32
    %mul3A_14 = arith.muli %arg1, %mul3A_13 : i32
    %mul3A_15 = arith.constant 10240 : i32
    %mul3A_16 = arith.muli %arg0, %mul3A_15 : i32
    %mul3A_17 = arith.constant 640 : i32
    %mul3A_18 = arith.muli %arg1, %mul3A_17 : i32
    %add3A_19 = arith.addi %mul3A_16, %mul3A_18 : i32
    "tpu.region"() ({
      %run_scoped3A = tpu.sem_alloc : memref<!tpu.dma_semaphore, #tpu.memory_space<semaphore_mem>>
      %dma_start3A = arith.constant 0 : i32
      %dma_start3A_20 = tpu.memref_slice %arg5[%add3A_19, %dma_start3A] : memref<20480x128xf32, #tpu.memory_space<hbm>> -> memref<640x128xf32, #tpu.memory_space<hbm>>
      %dma_start3A_21 = arith.constant 0 : i32
      %dma_start3A_22 = tpu.memref_slice %arg9[%mul3A_14, %dma_start3A_21] : memref<10240x128xf32, #tpu.memory_space<vmem_shared>> -> memref<640x128xf32, #tpu.memory_space<vmem_shared>>
      tpu.enqueue_dma source(%dma_start3A_22 : memref<640x128xf32, #tpu.memory_space<vmem_shared>>) target(%dma_start3A_20 : memref<640x128xf32, #tpu.memory_space<hbm>>) target_semaphore(%run_scoped3A : memref<!tpu.dma_semaphore, #tpu.memory_space<semaphore_mem>>)
      %dma_wait3A = arith.constant 0 : i32
      %dma_wait3A_23 = tpu.memref_slice %arg5[%add3A_19, %dma_wait3A] : memref<20480x128xf32, #tpu.memory_space<hbm>> -> memref<640x128xf32, #tpu.memory_space<hbm>>
      %dma_wait3A_24 = arith.constant 0 : i32
      %dma_wait3A_25 = tpu.memref_slice %arg9[%mul3A_14, %dma_wait3A_24] : memref<10240x128xf32, #tpu.memory_space<vmem_shared>> -> memref<640x128xf32, #tpu.memory_space<vmem_shared>>
      tpu.wait_dma2 semaphore(%run_scoped3A : memref<!tpu.dma_semaphore, #tpu.memory_space<semaphore_mem>>) src(%dma_wait3A_25 : memref<640x128xf32, #tpu.memory_space<vmem_shared>>) dst(%dma_wait3A_23 : memref<640x128xf32, #tpu.memory_space<hbm>>)
      tpu.yield
    }) : () -> ()
    return
  }
}

#map = affine_map<(d0, d1) -> (0, 0)>
module attributes {stable_mosaic.version = 14 : i64} {
  func.func @_agg_body(%arg0: i32, %arg1: i32, %arg2: memref<10000x128xf32, #tpu.memory_space<hbm>>, %arg3: memref<2560x128xi32, #tpu.memory_space<hbm>>, %arg4: memref<2560x128xi32, #tpu.memory_space<hbm>>, %arg5: memref<640x128xf32, #tpu.memory_space<hbm>>, %arg6: memref<20480x128xf32, #tpu.memory_space<hbm>>, %arg7: memref<128xi32, #tpu.memory_space<vmem>>, %arg8: memref<128xi32, #tpu.memory_space<vmem>>, %arg9: memref<128xi32, #tpu.memory_space<vmem>>, %arg10: memref<128xi32, #tpu.memory_space<vmem>>, %arg11: memref<128x128xf32, #tpu.memory_space<vmem>>, %arg12: memref<128x128xf32, #tpu.memory_space<vmem>>, %arg13: memref<10240x128xf32, #tpu.memory_space<vmem_shared>>, %arg14: memref<!tpu.dma_semaphore, #tpu.memory_space<semaphore_mem>>, %arg15: memref<!tpu.dma_semaphore, #tpu.memory_space<semaphore_mem>>, %arg16: memref<!tpu.dma_semaphore, #tpu.memory_space<semaphore_mem>>, %arg17: memref<!tpu.dma_semaphore, #tpu.memory_space<semaphore_mem>>) attributes {dimension_semantics = [#tpu.dimension_semantics<core_parallel>, #tpu.dimension_semantics<subcore_parallel>], iteration_bounds = array<i64: 2, 16>, scalar_prefetch = 0 : i64, scratch_operands = 11 : i64, tpu.core_type = #tpu.core_type<sc_vector_subcore>, window_params = [{transform_indices = #map}, {transform_indices = #map}, {transform_indices = #map}, {transform_indices = #map}, {transform_indices = #map}]} {
    %mul3A = arith.constant 2 : i32
    %mul3A_0 = arith.muli %arg1, %mul3A : i32
    %add3A = arith.addi %mul3A_0, %arg0 : i32
    %mul3A_1 = arith.constant 640 : i32
    %mul3A_2 = arith.muli %arg1, %mul3A_1 : i32
    "tpu.region"() ({
      %run_scoped3A = tpu.sem_alloc : memref<!tpu.dma_semaphore, #tpu.memory_space<semaphore_mem>>
      %dma_start3A_32 = arith.constant 0 : i32
      %dma_start3A_33 = tpu.memref_slice %arg13[%mul3A_2, %dma_start3A_32] : memref<10240x128xf32, #tpu.memory_space<vmem_shared>> -> memref<640x128xf32, #tpu.memory_space<vmem_shared>>
      tpu.enqueue_dma source(%arg5 : memref<640x128xf32, #tpu.memory_space<hbm>>) target(%dma_start3A_33 : memref<640x128xf32, #tpu.memory_space<vmem_shared>>) target_semaphore(%run_scoped3A : memref<!tpu.dma_semaphore, #tpu.memory_space<semaphore_mem>>)
      %dma_wait3A_34 = arith.constant 0 : i32
      %dma_wait3A_35 = tpu.memref_slice %arg13[%mul3A_2, %dma_wait3A_34] : memref<10240x128xf32, #tpu.memory_space<vmem_shared>> -> memref<640x128xf32, #tpu.memory_space<vmem_shared>>
      tpu.wait_dma2 semaphore(%run_scoped3A : memref<!tpu.dma_semaphore, #tpu.memory_space<semaphore_mem>>) src(%arg5 : memref<640x128xf32, #tpu.memory_space<hbm>>) dst(%dma_wait3A_35 : memref<640x128xf32, #tpu.memory_space<vmem_shared>>)
      tpu.yield
    }) : () -> ()
    %barrier3A = arith.constant 0 : index
    tpu.barrier barrier_id(%barrier3A)
    %mul3A_3 = arith.constant 80 : i32
    %mul3A_4 = arith.muli %add3A, %mul3A_3 : i32
    "tpu.region"() ({
      %run_scoped3A = tpu.sem_alloc : memref<!tpu.dma_semaphore, #tpu.memory_space<semaphore_mem>>
      %dma_start3A_32 = arith.constant 0 : i32
      %dma_start3A_33 = tpu.memref_slice %arg3[%mul3A_4, %dma_start3A_32] : memref<2560x128xi32, #tpu.memory_space<hbm>> -> memref<1x128xi32, #tpu.memory_space<hbm>>
      %dma_start3A_34 = tpu.memref_squeeze %dma_start3A_33 : memref<1x128xi32, #tpu.memory_space<hbm>> -> memref<128xi32, #tpu.memory_space<hbm>>
      %dma_start3A_35 = arith.constant 0 : i32
      %dma_start3A_36 = tpu.memref_slice %arg3[%mul3A_4, %dma_start3A_35] : memref<2560x128xi32, #tpu.memory_space<hbm>> -> memref<1x128xi32, #tpu.memory_space<hbm>>
      %dma_start3A_37 = tpu.memref_squeeze %dma_start3A_36 : memref<1x128xi32, #tpu.memory_space<hbm>> -> memref<128xi32, #tpu.memory_space<hbm>>
      tpu.enqueue_dma source(%dma_start3A_37 : memref<128xi32, #tpu.memory_space<hbm>>) target(%arg7 : memref<128xi32, #tpu.memory_space<vmem>>) target_semaphore(%run_scoped3A : memref<!tpu.dma_semaphore, #tpu.memory_space<semaphore_mem>>)
      %dma_wait3A_38 = arith.constant 0 : i32
      %dma_wait3A_39 = tpu.memref_slice %arg3[%mul3A_4, %dma_wait3A_38] : memref<2560x128xi32, #tpu.memory_space<hbm>> -> memref<1x128xi32, #tpu.memory_space<hbm>>
      %dma_wait3A_40 = tpu.memref_squeeze %dma_wait3A_39 : memref<1x128xi32, #tpu.memory_space<hbm>> -> memref<128xi32, #tpu.memory_space<hbm>>
      %dma_wait3A_41 = arith.constant 0 : i32
      %dma_wait3A_42 = tpu.memref_slice %arg3[%mul3A_4, %dma_wait3A_41] : memref<2560x128xi32, #tpu.memory_space<hbm>> -> memref<1x128xi32, #tpu.memory_space<hbm>>
      %dma_wait3A_43 = tpu.memref_squeeze %dma_wait3A_42 : memref<1x128xi32, #tpu.memory_space<hbm>> -> memref<128xi32, #tpu.memory_space<hbm>>
      tpu.wait_dma2 semaphore(%run_scoped3A : memref<!tpu.dma_semaphore, #tpu.memory_space<semaphore_mem>>) src(%dma_wait3A_43 : memref<128xi32, #tpu.memory_space<hbm>>) dst(%arg7 : memref<128xi32, #tpu.memory_space<vmem>>)
      tpu.yield
    }) : () -> ()
    "tpu.region"() ({
      %run_scoped3A = tpu.sem_alloc : memref<!tpu.dma_semaphore, #tpu.memory_space<semaphore_mem>>
      %dma_start3A_32 = arith.constant 0 : i32
      %dma_start3A_33 = tpu.memref_slice %arg4[%mul3A_4, %dma_start3A_32] : memref<2560x128xi32, #tpu.memory_space<hbm>> -> memref<1x128xi32, #tpu.memory_space<hbm>>
      %dma_start3A_34 = tpu.memref_squeeze %dma_start3A_33 : memref<1x128xi32, #tpu.memory_space<hbm>> -> memref<128xi32, #tpu.memory_space<hbm>>
      %dma_start3A_35 = arith.constant 0 : i32
      %dma_start3A_36 = tpu.memref_slice %arg4[%mul3A_4, %dma_start3A_35] : memref<2560x128xi32, #tpu.memory_space<hbm>> -> memref<1x128xi32, #tpu.memory_space<hbm>>
      %dma_start3A_37 = tpu.memref_squeeze %dma_start3A_36 : memref<1x128xi32, #tpu.memory_space<hbm>> -> memref<128xi32, #tpu.memory_space<hbm>>
      tpu.enqueue_dma source(%dma_start3A_37 : memref<128xi32, #tpu.memory_space<hbm>>) target(%arg8 : memref<128xi32, #tpu.memory_space<vmem>>) target_semaphore(%run_scoped3A : memref<!tpu.dma_semaphore, #tpu.memory_space<semaphore_mem>>)
      %dma_wait3A_38 = arith.constant 0 : i32
      %dma_wait3A_39 = tpu.memref_slice %arg4[%mul3A_4, %dma_wait3A_38] : memref<2560x128xi32, #tpu.memory_space<hbm>> -> memref<1x128xi32, #tpu.memory_space<hbm>>
      %dma_wait3A_40 = tpu.memref_squeeze %dma_wait3A_39 : memref<1x128xi32, #tpu.memory_space<hbm>> -> memref<128xi32, #tpu.memory_space<hbm>>
      %dma_wait3A_41 = arith.constant 0 : i32
      %dma_wait3A_42 = tpu.memref_slice %arg4[%mul3A_4, %dma_wait3A_41] : memref<2560x128xi32, #tpu.memory_space<hbm>> -> memref<1x128xi32, #tpu.memory_space<hbm>>
      %dma_wait3A_43 = tpu.memref_squeeze %dma_wait3A_42 : memref<1x128xi32, #tpu.memory_space<hbm>> -> memref<128xi32, #tpu.memory_space<hbm>>
      tpu.wait_dma2 semaphore(%run_scoped3A : memref<!tpu.dma_semaphore, #tpu.memory_space<semaphore_mem>>) src(%dma_wait3A_43 : memref<128xi32, #tpu.memory_space<hbm>>) dst(%arg8 : memref<128xi32, #tpu.memory_space<vmem>>)
      tpu.yield
    }) : () -> ()
    %dma_start3A = arith.constant 0 : i32
    %dma_start3A_5 = arith.constant 0 : i32
    %dma_start3A_6 = tpu.memref_slice %arg2[%dma_start3A, %dma_start3A_5] : memref<10000x128xf32, #tpu.memory_space<hbm>> -> memref<10000x128xf32, #tpu.memory_space<hbm>>
    tpu.enqueue_indirect_dma source(%dma_start3A_6 : memref<10000x128xf32, #tpu.memory_space<hbm>>) target(%arg11 : memref<128x128xf32, #tpu.memory_space<vmem>>) offsets(%arg7 : memref<128xi32, #tpu.memory_space<vmem>>) semaphore(%arg14 : memref<!tpu.dma_semaphore, #tpu.memory_space<semaphore_mem>>)
    %add3A_7 = arith.constant 1 : i32
    %add3A_8 = arith.addi %mul3A_4, %add3A_7 : i32
    "tpu.region"() ({
      %run_scoped3A = tpu.sem_alloc : memref<!tpu.dma_semaphore, #tpu.memory_space<semaphore_mem>>
      %dma_start3A_32 = arith.constant 0 : i32
      %dma_start3A_33 = tpu.memref_slice %arg3[%add3A_8, %dma_start3A_32] : memref<2560x128xi32, #tpu.memory_space<hbm>> -> memref<1x128xi32, #tpu.memory_space<hbm>>
      %dma_start3A_34 = tpu.memref_squeeze %dma_start3A_33 : memref<1x128xi32, #tpu.memory_space<hbm>> -> memref<128xi32, #tpu.memory_space<hbm>>
      %dma_start3A_35 = arith.constant 0 : i32
      %dma_start3A_36 = tpu.memref_slice %arg3[%add3A_8, %dma_start3A_35] : memref<2560x128xi32, #tpu.memory_space<hbm>> -> memref<1x128xi32, #tpu.memory_space<hbm>>
      %dma_start3A_37 = tpu.memref_squeeze %dma_start3A_36 : memref<1x128xi32, #tpu.memory_space<hbm>> -> memref<128xi32, #tpu.memory_space<hbm>>
      tpu.enqueue_dma source(%dma_start3A_37 : memref<128xi32, #tpu.memory_space<hbm>>) target(%arg9 : memref<128xi32, #tpu.memory_space<vmem>>) target_semaphore(%run_scoped3A : memref<!tpu.dma_semaphore, #tpu.memory_space<semaphore_mem>>)
      %dma_wait3A_38 = arith.constant 0 : i32
      %dma_wait3A_39 = tpu.memref_slice %arg3[%add3A_8, %dma_wait3A_38] : memref<2560x128xi32, #tpu.memory_space<hbm>> -> memref<1x128xi32, #tpu.memory_space<hbm>>
      %dma_wait3A_40 = tpu.memref_squeeze %dma_wait3A_39 : memref<1x128xi32, #tpu.memory_space<hbm>> -> memref<128xi32, #tpu.memory_space<hbm>>
      %dma_wait3A_41 = arith.constant 0 : i32
      %dma_wait3A_42 = tpu.memref_slice %arg3[%add3A_8, %dma_wait3A_41] : memref<2560x128xi32, #tpu.memory_space<hbm>> -> memref<1x128xi32, #tpu.memory_space<hbm>>
      %dma_wait3A_43 = tpu.memref_squeeze %dma_wait3A_42 : memref<1x128xi32, #tpu.memory_space<hbm>> -> memref<128xi32, #tpu.memory_space<hbm>>
      tpu.wait_dma2 semaphore(%run_scoped3A : memref<!tpu.dma_semaphore, #tpu.memory_space<semaphore_mem>>) src(%dma_wait3A_43 : memref<128xi32, #tpu.memory_space<hbm>>) dst(%arg9 : memref<128xi32, #tpu.memory_space<vmem>>)
      tpu.yield
    }) : () -> ()
    %add3A_9 = arith.constant 1 : i32
    %add3A_10 = arith.addi %mul3A_4, %add3A_9 : i32
    "tpu.region"() ({
      %run_scoped3A = tpu.sem_alloc : memref<!tpu.dma_semaphore, #tpu.memory_space<semaphore_mem>>
      %dma_start3A_32 = arith.constant 0 : i32
      %dma_start3A_33 = tpu.memref_slice %arg4[%add3A_10, %dma_start3A_32] : memref<2560x128xi32, #tpu.memory_space<hbm>> -> memref<1x128xi32, #tpu.memory_space<hbm>>
      %dma_start3A_34 = tpu.memref_squeeze %dma_start3A_33 : memref<1x128xi32, #tpu.memory_space<hbm>> -> memref<128xi32, #tpu.memory_space<hbm>>
      %dma_start3A_35 = arith.constant 0 : i32
      %dma_start3A_36 = tpu.memref_slice %arg4[%add3A_10, %dma_start3A_35] : memref<2560x128xi32, #tpu.memory_space<hbm>> -> memref<1x128xi32, #tpu.memory_space<hbm>>
      %dma_start3A_37 = tpu.memref_squeeze %dma_start3A_36 : memref<1x128xi32, #tpu.memory_space<hbm>> -> memref<128xi32, #tpu.memory_space<hbm>>
      tpu.enqueue_dma source(%dma_start3A_37 : memref<128xi32, #tpu.memory_space<hbm>>) target(%arg10 : memref<128xi32, #tpu.memory_space<vmem>>) target_semaphore(%run_scoped3A : memref<!tpu.dma_semaphore, #tpu.memory_space<semaphore_mem>>)
      %dma_wait3A_38 = arith.constant 0 : i32
      %dma_wait3A_39 = tpu.memref_slice %arg4[%add3A_10, %dma_wait3A_38] : memref<2560x128xi32, #tpu.memory_space<hbm>> -> memref<1x128xi32, #tpu.memory_space<hbm>>
      %dma_wait3A_40 = tpu.memref_squeeze %dma_wait3A_39 : memref<1x128xi32, #tpu.memory_space<hbm>> -> memref<128xi32, #tpu.memory_space<hbm>>
      %dma_wait3A_41 = arith.constant 0 : i32
      %dma_wait3A_42 = tpu.memref_slice %arg4[%add3A_10, %dma_wait3A_41] : memref<2560x128xi32, #tpu.memory_space<hbm>> -> memref<1x128xi32, #tpu.memory_space<hbm>>
      %dma_wait3A_43 = tpu.memref_squeeze %dma_wait3A_42 : memref<1x128xi32, #tpu.memory_space<hbm>> -> memref<128xi32, #tpu.memory_space<hbm>>
      tpu.wait_dma2 semaphore(%run_scoped3A : memref<!tpu.dma_semaphore, #tpu.memory_space<semaphore_mem>>) src(%dma_wait3A_43 : memref<128xi32, #tpu.memory_space<hbm>>) dst(%arg10 : memref<128xi32, #tpu.memory_space<vmem>>)
      tpu.yield
    }) : () -> ()
    %dma_start3A_11 = arith.constant 0 : i32
    %dma_start3A_12 = arith.constant 0 : i32
    %dma_start3A_13 = tpu.memref_slice %arg2[%dma_start3A_11, %dma_start3A_12] : memref<10000x128xf32, #tpu.memory_space<hbm>> -> memref<10000x128xf32, #tpu.memory_space<hbm>>
    tpu.enqueue_indirect_dma source(%dma_start3A_13 : memref<10000x128xf32, #tpu.memory_space<hbm>>) target(%arg12 : memref<128x128xf32, #tpu.memory_space<vmem>>) offsets(%arg9 : memref<128xi32, #tpu.memory_space<vmem>>) semaphore(%arg15 : memref<!tpu.dma_semaphore, #tpu.memory_space<semaphore_mem>>)
    %scan3A = arith.constant 0 : i32
    %scan3A_14 = arith.constant 0 : i32
    %scan3A_15 = arith.constant 39 : i32
    %scan3A_16 = arith.addi %scan3A_14, %scan3A_15 : i32
    %scan3A_17 = arith.constant 1 : i32
    scf.for %scan3A_32 = %scan3A_14 to %scan3A_16 step %scan3A_17  : i32 {
      %mul3A_33 = arith.constant 2 : i32
      %mul3A_34 = arith.muli %mul3A_33, %scan3A_32 : i32
      %dma_wait3A_35 = arith.constant 0 : i32
      %dma_wait3A_36 = arith.constant 0 : i32
      %dma_wait3A_37 = tpu.memref_slice %arg2[%dma_wait3A_35, %dma_wait3A_36] : memref<10000x128xf32, #tpu.memory_space<hbm>> -> memref<10000x128xf32, #tpu.memory_space<hbm>>
      tpu.wait_indirect_dma semaphore(%arg14 : memref<!tpu.dma_semaphore, #tpu.memory_space<semaphore_mem>>) src(%dma_wait3A_37 : memref<10000x128xf32, #tpu.memory_space<hbm>>) dst(%arg11 : memref<128x128xf32, #tpu.memory_space<vmem>>)
      %dma_start3A_38 = arith.constant 0 : i32
      %dma_start3A_39 = arith.constant 0 : i32
      %dma_start3A_40 = tpu.memref_slice %arg13[%dma_start3A_38, %dma_start3A_39] : memref<10240x128xf32, #tpu.memory_space<vmem_shared>> -> memref<10240x128xf32, #tpu.memory_space<vmem_shared>>
      tpu.enqueue_indirect_dma source(%arg11 : memref<128x128xf32, #tpu.memory_space<vmem>>) target(%dma_start3A_40 : memref<10240x128xf32, #tpu.memory_space<vmem_shared>>) offsets(%arg8 : memref<128xi32, #tpu.memory_space<vmem>>) semaphore(%arg16 : memref<!tpu.dma_semaphore, #tpu.memory_space<semaphore_mem>>) {add = true}
      %dma_wait3A_41 = arith.constant 0 : i32
      %dma_wait3A_42 = arith.constant 0 : i32
      %dma_wait3A_43 = tpu.memref_slice %arg2[%dma_wait3A_41, %dma_wait3A_42] : memref<10000x128xf32, #tpu.memory_space<hbm>> -> memref<10000x128xf32, #tpu.memory_space<hbm>>
      tpu.wait_indirect_dma semaphore(%arg15 : memref<!tpu.dma_semaphore, #tpu.memory_space<semaphore_mem>>) src(%dma_wait3A_43 : memref<10000x128xf32, #tpu.memory_space<hbm>>) dst(%arg12 : memref<128x128xf32, #tpu.memory_space<vmem>>)
      %dma_start3A_44 = arith.constant 0 : i32
      %dma_start3A_45 = arith.constant 0 : i32
      %dma_start3A_46 = tpu.memref_slice %arg13[%dma_start3A_44, %dma_start3A_45] : memref<10240x128xf32, #tpu.memory_space<vmem_shared>> -> memref<10240x128xf32, #tpu.memory_space<vmem_shared>>
      tpu.enqueue_indirect_dma source(%arg12 : memref<128x128xf32, #tpu.memory_space<vmem>>) target(%dma_start3A_46 : memref<10240x128xf32, #tpu.memory_space<vmem_shared>>) offsets(%arg10 : memref<128xi32, #tpu.memory_space<vmem>>) semaphore(%arg17 : memref<!tpu.dma_semaphore, #tpu.memory_space<semaphore_mem>>) {add = true}
      %dma_wait3A_47 = arith.constant 0 : i32
      %dma_wait3A_48 = arith.constant 0 : i32
      %dma_wait3A_49 = tpu.memref_slice %arg13[%dma_wait3A_47, %dma_wait3A_48] : memref<10240x128xf32, #tpu.memory_space<vmem_shared>> -> memref<10240x128xf32, #tpu.memory_space<vmem_shared>>
      tpu.wait_indirect_dma semaphore(%arg16 : memref<!tpu.dma_semaphore, #tpu.memory_space<semaphore_mem>>) src(%arg11 : memref<128x128xf32, #tpu.memory_space<vmem>>) dst(%dma_wait3A_49 : memref<10240x128xf32, #tpu.memory_space<vmem_shared>>)
      %add3A_50 = arith.addi %mul3A_4, %mul3A_34 : i32
      %add3A_51 = arith.constant 2 : i32
      %add3A_52 = arith.addi %add3A_50, %add3A_51 : i32
      "tpu.region"() ({
        %run_scoped3A = tpu.sem_alloc : memref<!tpu.dma_semaphore, #tpu.memory_space<semaphore_mem>>
        %dma_start3A_71 = arith.constant 0 : i32
        %dma_start3A_72 = tpu.memref_slice %arg3[%add3A_52, %dma_start3A_71] : memref<2560x128xi32, #tpu.memory_space<hbm>> -> memref<1x128xi32, #tpu.memory_space<hbm>>
        %dma_start3A_73 = tpu.memref_squeeze %dma_start3A_72 : memref<1x128xi32, #tpu.memory_space<hbm>> -> memref<128xi32, #tpu.memory_space<hbm>>
        %dma_start3A_74 = arith.constant 0 : i32
        %dma_start3A_75 = tpu.memref_slice %arg3[%add3A_52, %dma_start3A_74] : memref<2560x128xi32, #tpu.memory_space<hbm>> -> memref<1x128xi32, #tpu.memory_space<hbm>>
        %dma_start3A_76 = tpu.memref_squeeze %dma_start3A_75 : memref<1x128xi32, #tpu.memory_space<hbm>> -> memref<128xi32, #tpu.memory_space<hbm>>
        tpu.enqueue_dma source(%dma_start3A_76 : memref<128xi32, #tpu.memory_space<hbm>>) target(%arg7 : memref<128xi32, #tpu.memory_space<vmem>>) target_semaphore(%run_scoped3A : memref<!tpu.dma_semaphore, #tpu.memory_space<semaphore_mem>>)
        %dma_wait3A_77 = arith.constant 0 : i32
        %dma_wait3A_78 = tpu.memref_slice %arg3[%add3A_52, %dma_wait3A_77] : memref<2560x128xi32, #tpu.memory_space<hbm>> -> memref<1x128xi32, #tpu.memory_space<hbm>>
        %dma_wait3A_79 = tpu.memref_squeeze %dma_wait3A_78 : memref<1x128xi32, #tpu.memory_space<hbm>> -> memref<128xi32, #tpu.memory_space<hbm>>
        %dma_wait3A_80 = arith.constant 0 : i32
        %dma_wait3A_81 = tpu.memref_slice %arg3[%add3A_52, %dma_wait3A_80] : memref<2560x128xi32, #tpu.memory_space<hbm>> -> memref<1x128xi32, #tpu.memory_space<hbm>>
        %dma_wait3A_82 = tpu.memref_squeeze %dma_wait3A_81 : memref<1x128xi32, #tpu.memory_space<hbm>> -> memref<128xi32, #tpu.memory_space<hbm>>
        tpu.wait_dma2 semaphore(%run_scoped3A : memref<!tpu.dma_semaphore, #tpu.memory_space<semaphore_mem>>) src(%dma_wait3A_82 : memref<128xi32, #tpu.memory_space<hbm>>) dst(%arg7 : memref<128xi32, #tpu.memory_space<vmem>>)
        tpu.yield
      }) : () -> ()
      %add3A_53 = arith.addi %mul3A_4, %mul3A_34 : i32
      %add3A_54 = arith.constant 2 : i32
      %add3A_55 = arith.addi %add3A_53, %add3A_54 : i32
      "tpu.region"() ({
        %run_scoped3A = tpu.sem_alloc : memref<!tpu.dma_semaphore, #tpu.memory_space<semaphore_mem>>
        %dma_start3A_71 = arith.constant 0 : i32
        %dma_start3A_72 = tpu.memref_slice %arg4[%add3A_55, %dma_start3A_71] : memref<2560x128xi32, #tpu.memory_space<hbm>> -> memref<1x128xi32, #tpu.memory_space<hbm>>
        %dma_start3A_73 = tpu.memref_squeeze %dma_start3A_72 : memref<1x128xi32, #tpu.memory_space<hbm>> -> memref<128xi32, #tpu.memory_space<hbm>>
        %dma_start3A_74 = arith.constant 0 : i32
        %dma_start3A_75 = tpu.memref_slice %arg4[%add3A_55, %dma_start3A_74] : memref<2560x128xi32, #tpu.memory_space<hbm>> -> memref<1x128xi32, #tpu.memory_space<hbm>>
        %dma_start3A_76 = tpu.memref_squeeze %dma_start3A_75 : memref<1x128xi32, #tpu.memory_space<hbm>> -> memref<128xi32, #tpu.memory_space<hbm>>
        tpu.enqueue_dma source(%dma_start3A_76 : memref<128xi32, #tpu.memory_space<hbm>>) target(%arg8 : memref<128xi32, #tpu.memory_space<vmem>>) target_semaphore(%run_scoped3A : memref<!tpu.dma_semaphore, #tpu.memory_space<semaphore_mem>>)
        %dma_wait3A_77 = arith.constant 0 : i32
        %dma_wait3A_78 = tpu.memref_slice %arg4[%add3A_55, %dma_wait3A_77] : memref<2560x128xi32, #tpu.memory_space<hbm>> -> memref<1x128xi32, #tpu.memory_space<hbm>>
        %dma_wait3A_79 = tpu.memref_squeeze %dma_wait3A_78 : memref<1x128xi32, #tpu.memory_space<hbm>> -> memref<128xi32, #tpu.memory_space<hbm>>
        %dma_wait3A_80 = arith.constant 0 : i32
        %dma_wait3A_81 = tpu.memref_slice %arg4[%add3A_55, %dma_wait3A_80] : memref<2560x128xi32, #tpu.memory_space<hbm>> -> memref<1x128xi32, #tpu.memory_space<hbm>>
        %dma_wait3A_82 = tpu.memref_squeeze %dma_wait3A_81 : memref<1x128xi32, #tpu.memory_space<hbm>> -> memref<128xi32, #tpu.memory_space<hbm>>
        tpu.wait_dma2 semaphore(%run_scoped3A : memref<!tpu.dma_semaphore, #tpu.memory_space<semaphore_mem>>) src(%dma_wait3A_82 : memref<128xi32, #tpu.memory_space<hbm>>) dst(%arg8 : memref<128xi32, #tpu.memory_space<vmem>>)
        tpu.yield
      }) : () -> ()
      %dma_start3A_56 = arith.constant 0 : i32
      %dma_start3A_57 = arith.constant 0 : i32
      %dma_start3A_58 = tpu.memref_slice %arg2[%dma_start3A_56, %dma_start3A_57] : memref<10000x128xf32, #tpu.memory_space<hbm>> -> memref<10000x128xf32, #tpu.memory_space<hbm>>
      tpu.enqueue_indirect_dma source(%dma_start3A_58 : memref<10000x128xf32, #tpu.memory_space<hbm>>) target(%arg11 : memref<128x128xf32, #tpu.memory_space<vmem>>) offsets(%arg7 : memref<128xi32, #tpu.memory_space<vmem>>) semaphore(%arg14 : memref<!tpu.dma_semaphore, #tpu.memory_space<semaphore_mem>>)
      %dma_wait3A_59 = arith.constant 0 : i32
      %dma_wait3A_60 = arith.constant 0 : i32
      %dma_wait3A_61 = tpu.memref_slice %arg13[%dma_wait3A_59, %dma_wait3A_60] : memref<10240x128xf32, #tpu.memory_space<vmem_shared>> -> memref<10240x128xf32, #tpu.memory_space<vmem_shared>>
      tpu.wait_indirect_dma semaphore(%arg17 : memref<!tpu.dma_semaphore, #tpu.memory_space<semaphore_mem>>) src(%arg12 : memref<128x128xf32, #tpu.memory_space<vmem>>) dst(%dma_wait3A_61 : memref<10240x128xf32, #tpu.memory_space<vmem_shared>>)
      %add3A_62 = arith.addi %mul3A_4, %mul3A_34 : i32
      %add3A_63 = arith.constant 3 : i32
      %add3A_64 = arith.addi %add3A_62, %add3A_63 : i32
      "tpu.region"() ({
        %run_scoped3A = tpu.sem_alloc : memref<!tpu.dma_semaphore, #tpu.memory_space<semaphore_mem>>
        %dma_start3A_71 = arith.constant 0 : i32
        %dma_start3A_72 = tpu.memref_slice %arg3[%add3A_64, %dma_start3A_71] : memref<2560x128xi32, #tpu.memory_space<hbm>> -> memref<1x128xi32, #tpu.memory_space<hbm>>
        %dma_start3A_73 = tpu.memref_squeeze %dma_start3A_72 : memref<1x128xi32, #tpu.memory_space<hbm>> -> memref<128xi32, #tpu.memory_space<hbm>>
        %dma_start3A_74 = arith.constant 0 : i32
        %dma_start3A_75 = tpu.memref_slice %arg3[%add3A_64, %dma_start3A_74] : memref<2560x128xi32, #tpu.memory_space<hbm>> -> memref<1x128xi32, #tpu.memory_space<hbm>>
        %dma_start3A_76 = tpu.memref_squeeze %dma_start3A_75 : memref<1x128xi32, #tpu.memory_space<hbm>> -> memref<128xi32, #tpu.memory_space<hbm>>
        tpu.enqueue_dma source(%dma_start3A_76 : memref<128xi32, #tpu.memory_space<hbm>>) target(%arg9 : memref<128xi32, #tpu.memory_space<vmem>>) target_semaphore(%run_scoped3A : memref<!tpu.dma_semaphore, #tpu.memory_space<semaphore_mem>>)
        %dma_wait3A_77 = arith.constant 0 : i32
        %dma_wait3A_78 = tpu.memref_slice %arg3[%add3A_64, %dma_wait3A_77] : memref<2560x128xi32, #tpu.memory_space<hbm>> -> memref<1x128xi32, #tpu.memory_space<hbm>>
        %dma_wait3A_79 = tpu.memref_squeeze %dma_wait3A_78 : memref<1x128xi32, #tpu.memory_space<hbm>> -> memref<128xi32, #tpu.memory_space<hbm>>
        %dma_wait3A_80 = arith.constant 0 : i32
        %dma_wait3A_81 = tpu.memref_slice %arg3[%add3A_64, %dma_wait3A_80] : memref<2560x128xi32, #tpu.memory_space<hbm>> -> memref<1x128xi32, #tpu.memory_space<hbm>>
        %dma_wait3A_82 = tpu.memref_squeeze %dma_wait3A_81 : memref<1x128xi32, #tpu.memory_space<hbm>> -> memref<128xi32, #tpu.memory_space<hbm>>
        tpu.wait_dma2 semaphore(%run_scoped3A : memref<!tpu.dma_semaphore, #tpu.memory_space<semaphore_mem>>) src(%dma_wait3A_82 : memref<128xi32, #tpu.memory_space<hbm>>) dst(%arg9 : memref<128xi32, #tpu.memory_space<vmem>>)
        tpu.yield
      }) : () -> ()
      %add3A_65 = arith.addi %mul3A_4, %mul3A_34 : i32
      %add3A_66 = arith.constant 3 : i32
      %add3A_67 = arith.addi %add3A_65, %add3A_66 : i32
      "tpu.region"() ({
        %run_scoped3A = tpu.sem_alloc : memref<!tpu.dma_semaphore, #tpu.memory_space<semaphore_mem>>
        %dma_start3A_71 = arith.constant 0 : i32
        %dma_start3A_72 = tpu.memref_slice %arg4[%add3A_67, %dma_start3A_71] : memref<2560x128xi32, #tpu.memory_space<hbm>> -> memref<1x128xi32, #tpu.memory_space<hbm>>
        %dma_start3A_73 = tpu.memref_squeeze %dma_start3A_72 : memref<1x128xi32, #tpu.memory_space<hbm>> -> memref<128xi32, #tpu.memory_space<hbm>>
        %dma_start3A_74 = arith.constant 0 : i32
        %dma_start3A_75 = tpu.memref_slice %arg4[%add3A_67, %dma_start3A_74] : memref<2560x128xi32, #tpu.memory_space<hbm>> -> memref<1x128xi32, #tpu.memory_space<hbm>>
        %dma_start3A_76 = tpu.memref_squeeze %dma_start3A_75 : memref<1x128xi32, #tpu.memory_space<hbm>> -> memref<128xi32, #tpu.memory_space<hbm>>
        tpu.enqueue_dma source(%dma_start3A_76 : memref<128xi32, #tpu.memory_space<hbm>>) target(%arg10 : memref<128xi32, #tpu.memory_space<vmem>>) target_semaphore(%run_scoped3A : memref<!tpu.dma_semaphore, #tpu.memory_space<semaphore_mem>>)
        %dma_wait3A_77 = arith.constant 0 : i32
        %dma_wait3A_78 = tpu.memref_slice %arg4[%add3A_67, %dma_wait3A_77] : memref<2560x128xi32, #tpu.memory_space<hbm>> -> memref<1x128xi32, #tpu.memory_space<hbm>>
        %dma_wait3A_79 = tpu.memref_squeeze %dma_wait3A_78 : memref<1x128xi32, #tpu.memory_space<hbm>> -> memref<128xi32, #tpu.memory_space<hbm>>
        %dma_wait3A_80 = arith.constant 0 : i32
        %dma_wait3A_81 = tpu.memref_slice %arg4[%add3A_67, %dma_wait3A_80] : memref<2560x128xi32, #tpu.memory_space<hbm>> -> memref<1x128xi32, #tpu.memory_space<hbm>>
        %dma_wait3A_82 = tpu.memref_squeeze %dma_wait3A_81 : memref<1x128xi32, #tpu.memory_space<hbm>> -> memref<128xi32, #tpu.memory_space<hbm>>
        tpu.wait_dma2 semaphore(%run_scoped3A : memref<!tpu.dma_semaphore, #tpu.memory_space<semaphore_mem>>) src(%dma_wait3A_82 : memref<128xi32, #tpu.memory_space<hbm>>) dst(%arg10 : memref<128xi32, #tpu.memory_space<vmem>>)
        tpu.yield
      }) : () -> ()
      %dma_start3A_68 = arith.constant 0 : i32
      %dma_start3A_69 = arith.constant 0 : i32
      %dma_start3A_70 = tpu.memref_slice %arg2[%dma_start3A_68, %dma_start3A_69] : memref<10000x128xf32, #tpu.memory_space<hbm>> -> memref<10000x128xf32, #tpu.memory_space<hbm>>
      tpu.enqueue_indirect_dma source(%dma_start3A_70 : memref<10000x128xf32, #tpu.memory_space<hbm>>) target(%arg12 : memref<128x128xf32, #tpu.memory_space<vmem>>) offsets(%arg9 : memref<128xi32, #tpu.memory_space<vmem>>) semaphore(%arg15 : memref<!tpu.dma_semaphore, #tpu.memory_space<semaphore_mem>>)
    }
    %scan3A_18 = arith.constant 39 : i32
    %dma_wait3A = arith.constant 0 : i32
    %dma_wait3A_19 = arith.constant 0 : i32
    %dma_wait3A_20 = tpu.memref_slice %arg2[%dma_wait3A, %dma_wait3A_19] : memref<10000x128xf32, #tpu.memory_space<hbm>> -> memref<10000x128xf32, #tpu.memory_space<hbm>>
    tpu.wait_indirect_dma semaphore(%arg14 : memref<!tpu.dma_semaphore, #tpu.memory_space<semaphore_mem>>) src(%dma_wait3A_20 : memref<10000x128xf32, #tpu.memory_space<hbm>>) dst(%arg11 : memref<128x128xf32, #tpu.memory_space<vmem>>)
    "tpu.region"() ({
      %run_scoped3A = tpu.sem_alloc : memref<!tpu.dma_semaphore, #tpu.memory_space<semaphore_mem>>
      %dma_start3A_32 = arith.constant 0 : i32
      %dma_start3A_33 = arith.constant 0 : i32
      %dma_start3A_34 = tpu.memref_slice %arg13[%dma_start3A_32, %dma_start3A_33] : memref<10240x128xf32, #tpu.memory_space<vmem_shared>> -> memref<10240x128xf32, #tpu.memory_space<vmem_shared>>
      tpu.enqueue_indirect_dma source(%arg11 : memref<128x128xf32, #tpu.memory_space<vmem>>) target(%dma_start3A_34 : memref<10240x128xf32, #tpu.memory_space<vmem_shared>>) offsets(%arg8 : memref<128xi32, #tpu.memory_space<vmem>>) semaphore(%run_scoped3A : memref<!tpu.dma_semaphore, #tpu.memory_space<semaphore_mem>>) {add = true}
      %dma_wait3A_35 = arith.constant 0 : i32
      %dma_wait3A_36 = arith.constant 0 : i32
      %dma_wait3A_37 = tpu.memref_slice %arg13[%dma_wait3A_35, %dma_wait3A_36] : memref<10240x128xf32, #tpu.memory_space<vmem_shared>> -> memref<10240x128xf32, #tpu.memory_space<vmem_shared>>
      tpu.wait_indirect_dma semaphore(%run_scoped3A : memref<!tpu.dma_semaphore, #tpu.memory_space<semaphore_mem>>) src(%arg11 : memref<128x128xf32, #tpu.memory_space<vmem>>) dst(%dma_wait3A_37 : memref<10240x128xf32, #tpu.memory_space<vmem_shared>>)
      tpu.yield
    }) : () -> ()
    %dma_wait3A_21 = arith.constant 0 : i32
    %dma_wait3A_22 = arith.constant 0 : i32
    %dma_wait3A_23 = tpu.memref_slice %arg2[%dma_wait3A_21, %dma_wait3A_22] : memref<10000x128xf32, #tpu.memory_space<hbm>> -> memref<10000x128xf32, #tpu.memory_space<hbm>>
    tpu.wait_indirect_dma semaphore(%arg15 : memref<!tpu.dma_semaphore, #tpu.memory_space<semaphore_mem>>) src(%dma_wait3A_23 : memref<10000x128xf32, #tpu.memory_space<hbm>>) dst(%arg12 : memref<128x128xf32, #tpu.memory_space<vmem>>)
    "tpu.region"() ({
      %run_scoped3A = tpu.sem_alloc : memref<!tpu.dma_semaphore, #tpu.memory_space<semaphore_mem>>
      %dma_start3A_32 = arith.constant 0 : i32
      %dma_start3A_33 = arith.constant 0 : i32
      %dma_start3A_34 = tpu.memref_slice %arg13[%dma_start3A_32, %dma_start3A_33] : memref<10240x128xf32, #tpu.memory_space<vmem_shared>> -> memref<10240x128xf32, #tpu.memory_space<vmem_shared>>
      tpu.enqueue_indirect_dma source(%arg12 : memref<128x128xf32, #tpu.memory_space<vmem>>) target(%dma_start3A_34 : memref<10240x128xf32, #tpu.memory_space<vmem_shared>>) offsets(%arg10 : memref<128xi32, #tpu.memory_space<vmem>>) semaphore(%run_scoped3A : memref<!tpu.dma_semaphore, #tpu.memory_space<semaphore_mem>>) {add = true}
      %dma_wait3A_35 = arith.constant 0 : i32
      %dma_wait3A_36 = arith.constant 0 : i32
      %dma_wait3A_37 = tpu.memref_slice %arg13[%dma_wait3A_35, %dma_wait3A_36] : memref<10240x128xf32, #tpu.memory_space<vmem_shared>> -> memref<10240x128xf32, #tpu.memory_space<vmem_shared>>
      tpu.wait_indirect_dma semaphore(%run_scoped3A : memref<!tpu.dma_semaphore, #tpu.memory_space<semaphore_mem>>) src(%arg12 : memref<128x128xf32, #tpu.memory_space<vmem>>) dst(%dma_wait3A_37 : memref<10240x128xf32, #tpu.memory_space<vmem_shared>>)
      tpu.yield
    }) : () -> ()
    %barrier3A_24 = arith.constant 0 : index
    tpu.barrier barrier_id(%barrier3A_24)
    %mul3A_25 = arith.constant 640 : i32
    %mul3A_26 = arith.muli %arg1, %mul3A_25 : i32
    %mul3A_27 = arith.constant 10240 : i32
    %mul3A_28 = arith.muli %arg0, %mul3A_27 : i32
    %mul3A_29 = arith.constant 640 : i32
    %mul3A_30 = arith.muli %arg1, %mul3A_29 : i32
    %add3A_31 = arith.addi %mul3A_28, %mul3A_30 : i32
    "tpu.region"() ({
      %run_scoped3A = tpu.sem_alloc : memref<!tpu.dma_semaphore, #tpu.memory_space<semaphore_mem>>
      %dma_start3A_32 = arith.constant 0 : i32
      %dma_start3A_33 = tpu.memref_slice %arg6[%add3A_31, %dma_start3A_32] : memref<20480x128xf32, #tpu.memory_space<hbm>> -> memref<640x128xf32, #tpu.memory_space<hbm>>
      %dma_start3A_34 = arith.constant 0 : i32
      %dma_start3A_35 = tpu.memref_slice %arg13[%mul3A_26, %dma_start3A_34] : memref<10240x128xf32, #tpu.memory_space<vmem_shared>> -> memref<640x128xf32, #tpu.memory_space<vmem_shared>>
      tpu.enqueue_dma source(%dma_start3A_35 : memref<640x128xf32, #tpu.memory_space<vmem_shared>>) target(%dma_start3A_33 : memref<640x128xf32, #tpu.memory_space<hbm>>) target_semaphore(%run_scoped3A : memref<!tpu.dma_semaphore, #tpu.memory_space<semaphore_mem>>)
      %dma_wait3A_36 = arith.constant 0 : i32
      %dma_wait3A_37 = tpu.memref_slice %arg6[%add3A_31, %dma_wait3A_36] : memref<20480x128xf32, #tpu.memory_space<hbm>> -> memref<640x128xf32, #tpu.memory_space<hbm>>
      %dma_wait3A_38 = arith.constant 0 : i32
      %dma_wait3A_39 = tpu.memref_slice %arg13[%mul3A_26, %dma_wait3A_38] : memref<10240x128xf32, #tpu.memory_space<vmem_shared>> -> memref<640x128xf32, #tpu.memory_space<vmem_shared>>
      tpu.wait_dma2 semaphore(%run_scoped3A : memref<!tpu.dma_semaphore, #tpu.memory_space<semaphore_mem>>) src(%dma_wait3A_39 : memref<640x128xf32, #tpu.memory_space<vmem_shared>>) dst(%dma_wait3A_37 : memref<640x128xf32, #tpu.memory_space<hbm>>)
      tpu.yield
    }) : () -> ()
    return
  }
}

#map = affine_map<(d0, d1) -> (0, 0)>
module attributes {stable_mosaic.version = 14 : i64} {
  func.func @_agg_body(%arg0: i32, %arg1: i32, %arg2: memref<10000x128xf32, #tpu.memory_space<hbm>>, %arg3: memref<2560x128xi32, #tpu.memory_space<hbm>>, %arg4: memref<2560x128xi32, #tpu.memory_space<hbm>>, %arg5: memref<640x128xf32, #tpu.memory_space<hbm>>, %arg6: memref<20480x128xf32, #tpu.memory_space<hbm>>, %arg7: memref<128xi32, #tpu.memory_space<vmem>>, %arg8: memref<128xi32, #tpu.memory_space<vmem>>, %arg9: memref<128xi32, #tpu.memory_space<vmem>>, %arg10: memref<128xi32, #tpu.memory_space<vmem>>, %arg11: memref<128x128xf32, #tpu.memory_space<vmem>>, %arg12: memref<128x128xf32, #tpu.memory_space<vmem>>, %arg13: memref<10240x128xf32, #tpu.memory_space<vmem_shared>>, %arg14: memref<!tpu.dma_semaphore, #tpu.memory_space<semaphore_mem>>, %arg15: memref<!tpu.dma_semaphore, #tpu.memory_space<semaphore_mem>>, %arg16: memref<!tpu.dma_semaphore, #tpu.memory_space<semaphore_mem>>, %arg17: memref<!tpu.dma_semaphore, #tpu.memory_space<semaphore_mem>>) attributes {dimension_semantics = [#tpu.dimension_semantics<core_parallel>, #tpu.dimension_semantics<subcore_parallel>], iteration_bounds = array<i64: 2, 16>, scalar_prefetch = 0 : i64, scratch_operands = 11 : i64, tpu.core_type = #tpu.core_type<sc_vector_subcore>, window_params = [{transform_indices = #map}, {transform_indices = #map}, {transform_indices = #map}, {transform_indices = #map}, {transform_indices = #map}]} {
    %mul3A = arith.constant 2 : i32
    %mul3A_0 = arith.muli %arg1, %mul3A : i32
    %add3A = arith.addi %mul3A_0, %arg0 : i32
    %mul3A_1 = arith.constant 640 : i32
    %mul3A_2 = arith.muli %arg1, %mul3A_1 : i32
    "tpu.region"() ({
      %run_scoped3A = tpu.sem_alloc : memref<!tpu.dma_semaphore, #tpu.memory_space<semaphore_mem>>
      %dma_start3A_32 = arith.constant 0 : i32
      %dma_start3A_33 = tpu.memref_slice %arg13[%mul3A_2, %dma_start3A_32] : memref<10240x128xf32, #tpu.memory_space<vmem_shared>> -> memref<640x128xf32, #tpu.memory_space<vmem_shared>>
      tpu.enqueue_dma source(%arg5 : memref<640x128xf32, #tpu.memory_space<hbm>>) target(%dma_start3A_33 : memref<640x128xf32, #tpu.memory_space<vmem_shared>>) target_semaphore(%run_scoped3A : memref<!tpu.dma_semaphore, #tpu.memory_space<semaphore_mem>>)
      %dma_wait3A_34 = arith.constant 0 : i32
      %dma_wait3A_35 = tpu.memref_slice %arg13[%mul3A_2, %dma_wait3A_34] : memref<10240x128xf32, #tpu.memory_space<vmem_shared>> -> memref<640x128xf32, #tpu.memory_space<vmem_shared>>
      tpu.wait_dma2 semaphore(%run_scoped3A : memref<!tpu.dma_semaphore, #tpu.memory_space<semaphore_mem>>) src(%arg5 : memref<640x128xf32, #tpu.memory_space<hbm>>) dst(%dma_wait3A_35 : memref<640x128xf32, #tpu.memory_space<vmem_shared>>)
      tpu.yield
    }) : () -> ()
    %barrier3A = arith.constant 0 : index
    tpu.barrier barrier_id(%barrier3A)
    %mul3A_3 = arith.constant 80 : i32
    %mul3A_4 = arith.muli %add3A, %mul3A_3 : i32
    "tpu.region"() ({
      %run_scoped3A = tpu.sem_alloc : memref<!tpu.dma_semaphore, #tpu.memory_space<semaphore_mem>>
      %dma_start3A_32 = arith.constant 0 : i32
      %dma_start3A_33 = tpu.memref_slice %arg3[%mul3A_4, %dma_start3A_32] : memref<2560x128xi32, #tpu.memory_space<hbm>> -> memref<1x128xi32, #tpu.memory_space<hbm>>
      %dma_start3A_34 = tpu.memref_squeeze %dma_start3A_33 : memref<1x128xi32, #tpu.memory_space<hbm>> -> memref<128xi32, #tpu.memory_space<hbm>>
      %dma_start3A_35 = arith.constant 0 : i32
      %dma_start3A_36 = tpu.memref_slice %arg3[%mul3A_4, %dma_start3A_35] : memref<2560x128xi32, #tpu.memory_space<hbm>> -> memref<1x128xi32, #tpu.memory_space<hbm>>
      %dma_start3A_37 = tpu.memref_squeeze %dma_start3A_36 : memref<1x128xi32, #tpu.memory_space<hbm>> -> memref<128xi32, #tpu.memory_space<hbm>>
      tpu.enqueue_dma source(%dma_start3A_37 : memref<128xi32, #tpu.memory_space<hbm>>) target(%arg7 : memref<128xi32, #tpu.memory_space<vmem>>) target_semaphore(%run_scoped3A : memref<!tpu.dma_semaphore, #tpu.memory_space<semaphore_mem>>)
      %dma_wait3A_38 = arith.constant 0 : i32
      %dma_wait3A_39 = tpu.memref_slice %arg3[%mul3A_4, %dma_wait3A_38] : memref<2560x128xi32, #tpu.memory_space<hbm>> -> memref<1x128xi32, #tpu.memory_space<hbm>>
      %dma_wait3A_40 = tpu.memref_squeeze %dma_wait3A_39 : memref<1x128xi32, #tpu.memory_space<hbm>> -> memref<128xi32, #tpu.memory_space<hbm>>
      %dma_wait3A_41 = arith.constant 0 : i32
      %dma_wait3A_42 = tpu.memref_slice %arg3[%mul3A_4, %dma_wait3A_41] : memref<2560x128xi32, #tpu.memory_space<hbm>> -> memref<1x128xi32, #tpu.memory_space<hbm>>
      %dma_wait3A_43 = tpu.memref_squeeze %dma_wait3A_42 : memref<1x128xi32, #tpu.memory_space<hbm>> -> memref<128xi32, #tpu.memory_space<hbm>>
      tpu.wait_dma2 semaphore(%run_scoped3A : memref<!tpu.dma_semaphore, #tpu.memory_space<semaphore_mem>>) src(%dma_wait3A_43 : memref<128xi32, #tpu.memory_space<hbm>>) dst(%arg7 : memref<128xi32, #tpu.memory_space<vmem>>)
      tpu.yield
    }) : () -> ()
    "tpu.region"() ({
      %run_scoped3A = tpu.sem_alloc : memref<!tpu.dma_semaphore, #tpu.memory_space<semaphore_mem>>
      %dma_start3A_32 = arith.constant 0 : i32
      %dma_start3A_33 = tpu.memref_slice %arg4[%mul3A_4, %dma_start3A_32] : memref<2560x128xi32, #tpu.memory_space<hbm>> -> memref<1x128xi32, #tpu.memory_space<hbm>>
      %dma_start3A_34 = tpu.memref_squeeze %dma_start3A_33 : memref<1x128xi32, #tpu.memory_space<hbm>> -> memref<128xi32, #tpu.memory_space<hbm>>
      %dma_start3A_35 = arith.constant 0 : i32
      %dma_start3A_36 = tpu.memref_slice %arg4[%mul3A_4, %dma_start3A_35] : memref<2560x128xi32, #tpu.memory_space<hbm>> -> memref<1x128xi32, #tpu.memory_space<hbm>>
      %dma_start3A_37 = tpu.memref_squeeze %dma_start3A_36 : memref<1x128xi32, #tpu.memory_space<hbm>> -> memref<128xi32, #tpu.memory_space<hbm>>
      tpu.enqueue_dma source(%dma_start3A_37 : memref<128xi32, #tpu.memory_space<hbm>>) target(%arg8 : memref<128xi32, #tpu.memory_space<vmem>>) target_semaphore(%run_scoped3A : memref<!tpu.dma_semaphore, #tpu.memory_space<semaphore_mem>>)
      %dma_wait3A_38 = arith.constant 0 : i32
      %dma_wait3A_39 = tpu.memref_slice %arg4[%mul3A_4, %dma_wait3A_38] : memref<2560x128xi32, #tpu.memory_space<hbm>> -> memref<1x128xi32, #tpu.memory_space<hbm>>
      %dma_wait3A_40 = tpu.memref_squeeze %dma_wait3A_39 : memref<1x128xi32, #tpu.memory_space<hbm>> -> memref<128xi32, #tpu.memory_space<hbm>>
      %dma_wait3A_41 = arith.constant 0 : i32
      %dma_wait3A_42 = tpu.memref_slice %arg4[%mul3A_4, %dma_wait3A_41] : memref<2560x128xi32, #tpu.memory_space<hbm>> -> memref<1x128xi32, #tpu.memory_space<hbm>>
      %dma_wait3A_43 = tpu.memref_squeeze %dma_wait3A_42 : memref<1x128xi32, #tpu.memory_space<hbm>> -> memref<128xi32, #tpu.memory_space<hbm>>
      tpu.wait_dma2 semaphore(%run_scoped3A : memref<!tpu.dma_semaphore, #tpu.memory_space<semaphore_mem>>) src(%dma_wait3A_43 : memref<128xi32, #tpu.memory_space<hbm>>) dst(%arg8 : memref<128xi32, #tpu.memory_space<vmem>>)
      tpu.yield
    }) : () -> ()
    %dma_start3A = arith.constant 0 : i32
    %dma_start3A_5 = arith.constant 0 : i32
    %dma_start3A_6 = tpu.memref_slice %arg2[%dma_start3A, %dma_start3A_5] : memref<10000x128xf32, #tpu.memory_space<hbm>> -> memref<10000x128xf32, #tpu.memory_space<hbm>>
    tpu.enqueue_indirect_dma source(%dma_start3A_6 : memref<10000x128xf32, #tpu.memory_space<hbm>>) target(%arg11 : memref<128x128xf32, #tpu.memory_space<vmem>>) offsets(%arg7 : memref<128xi32, #tpu.memory_space<vmem>>) semaphore(%arg14 : memref<!tpu.dma_semaphore, #tpu.memory_space<semaphore_mem>>)
    %add3A_7 = arith.constant 1 : i32
    %add3A_8 = arith.addi %mul3A_4, %add3A_7 : i32
    "tpu.region"() ({
      %run_scoped3A = tpu.sem_alloc : memref<!tpu.dma_semaphore, #tpu.memory_space<semaphore_mem>>
      %dma_start3A_32 = arith.constant 0 : i32
      %dma_start3A_33 = tpu.memref_slice %arg3[%add3A_8, %dma_start3A_32] : memref<2560x128xi32, #tpu.memory_space<hbm>> -> memref<1x128xi32, #tpu.memory_space<hbm>>
      %dma_start3A_34 = tpu.memref_squeeze %dma_start3A_33 : memref<1x128xi32, #tpu.memory_space<hbm>> -> memref<128xi32, #tpu.memory_space<hbm>>
      %dma_start3A_35 = arith.constant 0 : i32
      %dma_start3A_36 = tpu.memref_slice %arg3[%add3A_8, %dma_start3A_35] : memref<2560x128xi32, #tpu.memory_space<hbm>> -> memref<1x128xi32, #tpu.memory_space<hbm>>
      %dma_start3A_37 = tpu.memref_squeeze %dma_start3A_36 : memref<1x128xi32, #tpu.memory_space<hbm>> -> memref<128xi32, #tpu.memory_space<hbm>>
      tpu.enqueue_dma source(%dma_start3A_37 : memref<128xi32, #tpu.memory_space<hbm>>) target(%arg9 : memref<128xi32, #tpu.memory_space<vmem>>) target_semaphore(%run_scoped3A : memref<!tpu.dma_semaphore, #tpu.memory_space<semaphore_mem>>)
      %dma_wait3A_38 = arith.constant 0 : i32
      %dma_wait3A_39 = tpu.memref_slice %arg3[%add3A_8, %dma_wait3A_38] : memref<2560x128xi32, #tpu.memory_space<hbm>> -> memref<1x128xi32, #tpu.memory_space<hbm>>
      %dma_wait3A_40 = tpu.memref_squeeze %dma_wait3A_39 : memref<1x128xi32, #tpu.memory_space<hbm>> -> memref<128xi32, #tpu.memory_space<hbm>>
      %dma_wait3A_41 = arith.constant 0 : i32
      %dma_wait3A_42 = tpu.memref_slice %arg3[%add3A_8, %dma_wait3A_41] : memref<2560x128xi32, #tpu.memory_space<hbm>> -> memref<1x128xi32, #tpu.memory_space<hbm>>
      %dma_wait3A_43 = tpu.memref_squeeze %dma_wait3A_42 : memref<1x128xi32, #tpu.memory_space<hbm>> -> memref<128xi32, #tpu.memory_space<hbm>>
      tpu.wait_dma2 semaphore(%run_scoped3A : memref<!tpu.dma_semaphore, #tpu.memory_space<semaphore_mem>>) src(%dma_wait3A_43 : memref<128xi32, #tpu.memory_space<hbm>>) dst(%arg9 : memref<128xi32, #tpu.memory_space<vmem>>)
      tpu.yield
    }) : () -> ()
    %add3A_9 = arith.constant 1 : i32
    %add3A_10 = arith.addi %mul3A_4, %add3A_9 : i32
    "tpu.region"() ({
      %run_scoped3A = tpu.sem_alloc : memref<!tpu.dma_semaphore, #tpu.memory_space<semaphore_mem>>
      %dma_start3A_32 = arith.constant 0 : i32
      %dma_start3A_33 = tpu.memref_slice %arg4[%add3A_10, %dma_start3A_32] : memref<2560x128xi32, #tpu.memory_space<hbm>> -> memref<1x128xi32, #tpu.memory_space<hbm>>
      %dma_start3A_34 = tpu.memref_squeeze %dma_start3A_33 : memref<1x128xi32, #tpu.memory_space<hbm>> -> memref<128xi32, #tpu.memory_space<hbm>>
      %dma_start3A_35 = arith.constant 0 : i32
      %dma_start3A_36 = tpu.memref_slice %arg4[%add3A_10, %dma_start3A_35] : memref<2560x128xi32, #tpu.memory_space<hbm>> -> memref<1x128xi32, #tpu.memory_space<hbm>>
      %dma_start3A_37 = tpu.memref_squeeze %dma_start3A_36 : memref<1x128xi32, #tpu.memory_space<hbm>> -> memref<128xi32, #tpu.memory_space<hbm>>
      tpu.enqueue_dma source(%dma_start3A_37 : memref<128xi32, #tpu.memory_space<hbm>>) target(%arg10 : memref<128xi32, #tpu.memory_space<vmem>>) target_semaphore(%run_scoped3A : memref<!tpu.dma_semaphore, #tpu.memory_space<semaphore_mem>>)
      %dma_wait3A_38 = arith.constant 0 : i32
      %dma_wait3A_39 = tpu.memref_slice %arg4[%add3A_10, %dma_wait3A_38] : memref<2560x128xi32, #tpu.memory_space<hbm>> -> memref<1x128xi32, #tpu.memory_space<hbm>>
      %dma_wait3A_40 = tpu.memref_squeeze %dma_wait3A_39 : memref<1x128xi32, #tpu.memory_space<hbm>> -> memref<128xi32, #tpu.memory_space<hbm>>
      %dma_wait3A_41 = arith.constant 0 : i32
      %dma_wait3A_42 = tpu.memref_slice %arg4[%add3A_10, %dma_wait3A_41] : memref<2560x128xi32, #tpu.memory_space<hbm>> -> memref<1x128xi32, #tpu.memory_space<hbm>>
      %dma_wait3A_43 = tpu.memref_squeeze %dma_wait3A_42 : memref<1x128xi32, #tpu.memory_space<hbm>> -> memref<128xi32, #tpu.memory_space<hbm>>
      tpu.wait_dma2 semaphore(%run_scoped3A : memref<!tpu.dma_semaphore, #tpu.memory_space<semaphore_mem>>) src(%dma_wait3A_43 : memref<128xi32, #tpu.memory_space<hbm>>) dst(%arg10 : memref<128xi32, #tpu.memory_space<vmem>>)
      tpu.yield
    }) : () -> ()
    %dma_start3A_11 = arith.constant 0 : i32
    %dma_start3A_12 = arith.constant 0 : i32
    %dma_start3A_13 = tpu.memref_slice %arg2[%dma_start3A_11, %dma_start3A_12] : memref<10000x128xf32, #tpu.memory_space<hbm>> -> memref<10000x128xf32, #tpu.memory_space<hbm>>
    tpu.enqueue_indirect_dma source(%dma_start3A_13 : memref<10000x128xf32, #tpu.memory_space<hbm>>) target(%arg12 : memref<128x128xf32, #tpu.memory_space<vmem>>) offsets(%arg9 : memref<128xi32, #tpu.memory_space<vmem>>) semaphore(%arg15 : memref<!tpu.dma_semaphore, #tpu.memory_space<semaphore_mem>>)
    %scan3A = arith.constant 0 : i32
    %scan3A_14 = arith.constant 0 : i32
    %scan3A_15 = arith.constant 39 : i32
    %scan3A_16 = arith.addi %scan3A_14, %scan3A_15 : i32
    %scan3A_17 = arith.constant 1 : i32
    scf.for %scan3A_32 = %scan3A_14 to %scan3A_16 step %scan3A_17  : i32 {
      %mul3A_33 = arith.constant 2 : i32
      %mul3A_34 = arith.muli %mul3A_33, %scan3A_32 : i32
      %dma_wait3A_35 = arith.constant 0 : i32
      %dma_wait3A_36 = arith.constant 0 : i32
      %dma_wait3A_37 = tpu.memref_slice %arg2[%dma_wait3A_35, %dma_wait3A_36] : memref<10000x128xf32, #tpu.memory_space<hbm>> -> memref<10000x128xf32, #tpu.memory_space<hbm>>
      tpu.wait_indirect_dma semaphore(%arg14 : memref<!tpu.dma_semaphore, #tpu.memory_space<semaphore_mem>>) src(%dma_wait3A_37 : memref<10000x128xf32, #tpu.memory_space<hbm>>) dst(%arg11 : memref<128x128xf32, #tpu.memory_space<vmem>>)
      %dma_start3A_38 = arith.constant 0 : i32
      %dma_start3A_39 = arith.constant 0 : i32
      %dma_start3A_40 = tpu.memref_slice %arg13[%dma_start3A_38, %dma_start3A_39] : memref<10240x128xf32, #tpu.memory_space<vmem_shared>> -> memref<10240x128xf32, #tpu.memory_space<vmem_shared>>
      tpu.enqueue_indirect_dma source(%arg11 : memref<128x128xf32, #tpu.memory_space<vmem>>) target(%dma_start3A_40 : memref<10240x128xf32, #tpu.memory_space<vmem_shared>>) offsets(%arg8 : memref<128xi32, #tpu.memory_space<vmem>>) semaphore(%arg16 : memref<!tpu.dma_semaphore, #tpu.memory_space<semaphore_mem>>) {add = true}
      %dma_wait3A_41 = arith.constant 0 : i32
      %dma_wait3A_42 = arith.constant 0 : i32
      %dma_wait3A_43 = tpu.memref_slice %arg2[%dma_wait3A_41, %dma_wait3A_42] : memref<10000x128xf32, #tpu.memory_space<hbm>> -> memref<10000x128xf32, #tpu.memory_space<hbm>>
      tpu.wait_indirect_dma semaphore(%arg15 : memref<!tpu.dma_semaphore, #tpu.memory_space<semaphore_mem>>) src(%dma_wait3A_43 : memref<10000x128xf32, #tpu.memory_space<hbm>>) dst(%arg12 : memref<128x128xf32, #tpu.memory_space<vmem>>)
      %dma_start3A_44 = arith.constant 0 : i32
      %dma_start3A_45 = arith.constant 0 : i32
      %dma_start3A_46 = tpu.memref_slice %arg13[%dma_start3A_44, %dma_start3A_45] : memref<10240x128xf32, #tpu.memory_space<vmem_shared>> -> memref<10240x128xf32, #tpu.memory_space<vmem_shared>>
      tpu.enqueue_indirect_dma source(%arg12 : memref<128x128xf32, #tpu.memory_space<vmem>>) target(%dma_start3A_46 : memref<10240x128xf32, #tpu.memory_space<vmem_shared>>) offsets(%arg10 : memref<128xi32, #tpu.memory_space<vmem>>) semaphore(%arg17 : memref<!tpu.dma_semaphore, #tpu.memory_space<semaphore_mem>>) {add = true}
      %dma_wait3A_47 = arith.constant 0 : i32
      %dma_wait3A_48 = arith.constant 0 : i32
      %dma_wait3A_49 = tpu.memref_slice %arg13[%dma_wait3A_47, %dma_wait3A_48] : memref<10240x128xf32, #tpu.memory_space<vmem_shared>> -> memref<10240x128xf32, #tpu.memory_space<vmem_shared>>
      tpu.wait_indirect_dma semaphore(%arg16 : memref<!tpu.dma_semaphore, #tpu.memory_space<semaphore_mem>>) src(%arg11 : memref<128x128xf32, #tpu.memory_space<vmem>>) dst(%dma_wait3A_49 : memref<10240x128xf32, #tpu.memory_space<vmem_shared>>)
      %add3A_50 = arith.addi %mul3A_4, %mul3A_34 : i32
      %add3A_51 = arith.constant 2 : i32
      %add3A_52 = arith.addi %add3A_50, %add3A_51 : i32
      "tpu.region"() ({
        %run_scoped3A = tpu.sem_alloc : memref<!tpu.dma_semaphore, #tpu.memory_space<semaphore_mem>>
        %dma_start3A_71 = arith.constant 0 : i32
        %dma_start3A_72 = tpu.memref_slice %arg3[%add3A_52, %dma_start3A_71] : memref<2560x128xi32, #tpu.memory_space<hbm>> -> memref<1x128xi32, #tpu.memory_space<hbm>>
        %dma_start3A_73 = tpu.memref_squeeze %dma_start3A_72 : memref<1x128xi32, #tpu.memory_space<hbm>> -> memref<128xi32, #tpu.memory_space<hbm>>
        %dma_start3A_74 = arith.constant 0 : i32
        %dma_start3A_75 = tpu.memref_slice %arg3[%add3A_52, %dma_start3A_74] : memref<2560x128xi32, #tpu.memory_space<hbm>> -> memref<1x128xi32, #tpu.memory_space<hbm>>
        %dma_start3A_76 = tpu.memref_squeeze %dma_start3A_75 : memref<1x128xi32, #tpu.memory_space<hbm>> -> memref<128xi32, #tpu.memory_space<hbm>>
        tpu.enqueue_dma source(%dma_start3A_76 : memref<128xi32, #tpu.memory_space<hbm>>) target(%arg7 : memref<128xi32, #tpu.memory_space<vmem>>) target_semaphore(%run_scoped3A : memref<!tpu.dma_semaphore, #tpu.memory_space<semaphore_mem>>)
        %dma_wait3A_77 = arith.constant 0 : i32
        %dma_wait3A_78 = tpu.memref_slice %arg3[%add3A_52, %dma_wait3A_77] : memref<2560x128xi32, #tpu.memory_space<hbm>> -> memref<1x128xi32, #tpu.memory_space<hbm>>
        %dma_wait3A_79 = tpu.memref_squeeze %dma_wait3A_78 : memref<1x128xi32, #tpu.memory_space<hbm>> -> memref<128xi32, #tpu.memory_space<hbm>>
        %dma_wait3A_80 = arith.constant 0 : i32
        %dma_wait3A_81 = tpu.memref_slice %arg3[%add3A_52, %dma_wait3A_80] : memref<2560x128xi32, #tpu.memory_space<hbm>> -> memref<1x128xi32, #tpu.memory_space<hbm>>
        %dma_wait3A_82 = tpu.memref_squeeze %dma_wait3A_81 : memref<1x128xi32, #tpu.memory_space<hbm>> -> memref<128xi32, #tpu.memory_space<hbm>>
        tpu.wait_dma2 semaphore(%run_scoped3A : memref<!tpu.dma_semaphore, #tpu.memory_space<semaphore_mem>>) src(%dma_wait3A_82 : memref<128xi32, #tpu.memory_space<hbm>>) dst(%arg7 : memref<128xi32, #tpu.memory_space<vmem>>)
        tpu.yield
      }) : () -> ()
      %add3A_53 = arith.addi %mul3A_4, %mul3A_34 : i32
      %add3A_54 = arith.constant 2 : i32
      %add3A_55 = arith.addi %add3A_53, %add3A_54 : i32
      "tpu.region"() ({
        %run_scoped3A = tpu.sem_alloc : memref<!tpu.dma_semaphore, #tpu.memory_space<semaphore_mem>>
        %dma_start3A_71 = arith.constant 0 : i32
        %dma_start3A_72 = tpu.memref_slice %arg4[%add3A_55, %dma_start3A_71] : memref<2560x128xi32, #tpu.memory_space<hbm>> -> memref<1x128xi32, #tpu.memory_space<hbm>>
        %dma_start3A_73 = tpu.memref_squeeze %dma_start3A_72 : memref<1x128xi32, #tpu.memory_space<hbm>> -> memref<128xi32, #tpu.memory_space<hbm>>
        %dma_start3A_74 = arith.constant 0 : i32
        %dma_start3A_75 = tpu.memref_slice %arg4[%add3A_55, %dma_start3A_74] : memref<2560x128xi32, #tpu.memory_space<hbm>> -> memref<1x128xi32, #tpu.memory_space<hbm>>
        %dma_start3A_76 = tpu.memref_squeeze %dma_start3A_75 : memref<1x128xi32, #tpu.memory_space<hbm>> -> memref<128xi32, #tpu.memory_space<hbm>>
        tpu.enqueue_dma source(%dma_start3A_76 : memref<128xi32, #tpu.memory_space<hbm>>) target(%arg8 : memref<128xi32, #tpu.memory_space<vmem>>) target_semaphore(%run_scoped3A : memref<!tpu.dma_semaphore, #tpu.memory_space<semaphore_mem>>)
        %dma_wait3A_77 = arith.constant 0 : i32
        %dma_wait3A_78 = tpu.memref_slice %arg4[%add3A_55, %dma_wait3A_77] : memref<2560x128xi32, #tpu.memory_space<hbm>> -> memref<1x128xi32, #tpu.memory_space<hbm>>
        %dma_wait3A_79 = tpu.memref_squeeze %dma_wait3A_78 : memref<1x128xi32, #tpu.memory_space<hbm>> -> memref<128xi32, #tpu.memory_space<hbm>>
        %dma_wait3A_80 = arith.constant 0 : i32
        %dma_wait3A_81 = tpu.memref_slice %arg4[%add3A_55, %dma_wait3A_80] : memref<2560x128xi32, #tpu.memory_space<hbm>> -> memref<1x128xi32, #tpu.memory_space<hbm>>
        %dma_wait3A_82 = tpu.memref_squeeze %dma_wait3A_81 : memref<1x128xi32, #tpu.memory_space<hbm>> -> memref<128xi32, #tpu.memory_space<hbm>>
        tpu.wait_dma2 semaphore(%run_scoped3A : memref<!tpu.dma_semaphore, #tpu.memory_space<semaphore_mem>>) src(%dma_wait3A_82 : memref<128xi32, #tpu.memory_space<hbm>>) dst(%arg8 : memref<128xi32, #tpu.memory_space<vmem>>)
        tpu.yield
      }) : () -> ()
      %dma_start3A_56 = arith.constant 0 : i32
      %dma_start3A_57 = arith.constant 0 : i32
      %dma_start3A_58 = tpu.memref_slice %arg2[%dma_start3A_56, %dma_start3A_57] : memref<10000x128xf32, #tpu.memory_space<hbm>> -> memref<10000x128xf32, #tpu.memory_space<hbm>>
      tpu.enqueue_indirect_dma source(%dma_start3A_58 : memref<10000x128xf32, #tpu.memory_space<hbm>>) target(%arg11 : memref<128x128xf32, #tpu.memory_space<vmem>>) offsets(%arg7 : memref<128xi32, #tpu.memory_space<vmem>>) semaphore(%arg14 : memref<!tpu.dma_semaphore, #tpu.memory_space<semaphore_mem>>)
      %dma_wait3A_59 = arith.constant 0 : i32
      %dma_wait3A_60 = arith.constant 0 : i32
      %dma_wait3A_61 = tpu.memref_slice %arg13[%dma_wait3A_59, %dma_wait3A_60] : memref<10240x128xf32, #tpu.memory_space<vmem_shared>> -> memref<10240x128xf32, #tpu.memory_space<vmem_shared>>
      tpu.wait_indirect_dma semaphore(%arg17 : memref<!tpu.dma_semaphore, #tpu.memory_space<semaphore_mem>>) src(%arg12 : memref<128x128xf32, #tpu.memory_space<vmem>>) dst(%dma_wait3A_61 : memref<10240x128xf32, #tpu.memory_space<vmem_shared>>)
      %add3A_62 = arith.addi %mul3A_4, %mul3A_34 : i32
      %add3A_63 = arith.constant 3 : i32
      %add3A_64 = arith.addi %add3A_62, %add3A_63 : i32
      "tpu.region"() ({
        %run_scoped3A = tpu.sem_alloc : memref<!tpu.dma_semaphore, #tpu.memory_space<semaphore_mem>>
        %dma_start3A_71 = arith.constant 0 : i32
        %dma_start3A_72 = tpu.memref_slice %arg3[%add3A_64, %dma_start3A_71] : memref<2560x128xi32, #tpu.memory_space<hbm>> -> memref<1x128xi32, #tpu.memory_space<hbm>>
        %dma_start3A_73 = tpu.memref_squeeze %dma_start3A_72 : memref<1x128xi32, #tpu.memory_space<hbm>> -> memref<128xi32, #tpu.memory_space<hbm>>
        %dma_start3A_74 = arith.constant 0 : i32
        %dma_start3A_75 = tpu.memref_slice %arg3[%add3A_64, %dma_start3A_74] : memref<2560x128xi32, #tpu.memory_space<hbm>> -> memref<1x128xi32, #tpu.memory_space<hbm>>
        %dma_start3A_76 = tpu.memref_squeeze %dma_start3A_75 : memref<1x128xi32, #tpu.memory_space<hbm>> -> memref<128xi32, #tpu.memory_space<hbm>>
        tpu.enqueue_dma source(%dma_start3A_76 : memref<128xi32, #tpu.memory_space<hbm>>) target(%arg9 : memref<128xi32, #tpu.memory_space<vmem>>) target_semaphore(%run_scoped3A : memref<!tpu.dma_semaphore, #tpu.memory_space<semaphore_mem>>)
        %dma_wait3A_77 = arith.constant 0 : i32
        %dma_wait3A_78 = tpu.memref_slice %arg3[%add3A_64, %dma_wait3A_77] : memref<2560x128xi32, #tpu.memory_space<hbm>> -> memref<1x128xi32, #tpu.memory_space<hbm>>
        %dma_wait3A_79 = tpu.memref_squeeze %dma_wait3A_78 : memref<1x128xi32, #tpu.memory_space<hbm>> -> memref<128xi32, #tpu.memory_space<hbm>>
        %dma_wait3A_80 = arith.constant 0 : i32
        %dma_wait3A_81 = tpu.memref_slice %arg3[%add3A_64, %dma_wait3A_80] : memref<2560x128xi32, #tpu.memory_space<hbm>> -> memref<1x128xi32, #tpu.memory_space<hbm>>
        %dma_wait3A_82 = tpu.memref_squeeze %dma_wait3A_81 : memref<1x128xi32, #tpu.memory_space<hbm>> -> memref<128xi32, #tpu.memory_space<hbm>>
        tpu.wait_dma2 semaphore(%run_scoped3A : memref<!tpu.dma_semaphore, #tpu.memory_space<semaphore_mem>>) src(%dma_wait3A_82 : memref<128xi32, #tpu.memory_space<hbm>>) dst(%arg9 : memref<128xi32, #tpu.memory_space<vmem>>)
        tpu.yield
      }) : () -> ()
      %add3A_65 = arith.addi %mul3A_4, %mul3A_34 : i32
      %add3A_66 = arith.constant 3 : i32
      %add3A_67 = arith.addi %add3A_65, %add3A_66 : i32
      "tpu.region"() ({
        %run_scoped3A = tpu.sem_alloc : memref<!tpu.dma_semaphore, #tpu.memory_space<semaphore_mem>>
        %dma_start3A_71 = arith.constant 0 : i32
        %dma_start3A_72 = tpu.memref_slice %arg4[%add3A_67, %dma_start3A_71] : memref<2560x128xi32, #tpu.memory_space<hbm>> -> memref<1x128xi32, #tpu.memory_space<hbm>>
        %dma_start3A_73 = tpu.memref_squeeze %dma_start3A_72 : memref<1x128xi32, #tpu.memory_space<hbm>> -> memref<128xi32, #tpu.memory_space<hbm>>
        %dma_start3A_74 = arith.constant 0 : i32
        %dma_start3A_75 = tpu.memref_slice %arg4[%add3A_67, %dma_start3A_74] : memref<2560x128xi32, #tpu.memory_space<hbm>> -> memref<1x128xi32, #tpu.memory_space<hbm>>
        %dma_start3A_76 = tpu.memref_squeeze %dma_start3A_75 : memref<1x128xi32, #tpu.memory_space<hbm>> -> memref<128xi32, #tpu.memory_space<hbm>>
        tpu.enqueue_dma source(%dma_start3A_76 : memref<128xi32, #tpu.memory_space<hbm>>) target(%arg10 : memref<128xi32, #tpu.memory_space<vmem>>) target_semaphore(%run_scoped3A : memref<!tpu.dma_semaphore, #tpu.memory_space<semaphore_mem>>)
        %dma_wait3A_77 = arith.constant 0 : i32
        %dma_wait3A_78 = tpu.memref_slice %arg4[%add3A_67, %dma_wait3A_77] : memref<2560x128xi32, #tpu.memory_space<hbm>> -> memref<1x128xi32, #tpu.memory_space<hbm>>
        %dma_wait3A_79 = tpu.memref_squeeze %dma_wait3A_78 : memref<1x128xi32, #tpu.memory_space<hbm>> -> memref<128xi32, #tpu.memory_space<hbm>>
        %dma_wait3A_80 = arith.constant 0 : i32
        %dma_wait3A_81 = tpu.memref_slice %arg4[%add3A_67, %dma_wait3A_80] : memref<2560x128xi32, #tpu.memory_space<hbm>> -> memref<1x128xi32, #tpu.memory_space<hbm>>
        %dma_wait3A_82 = tpu.memref_squeeze %dma_wait3A_81 : memref<1x128xi32, #tpu.memory_space<hbm>> -> memref<128xi32, #tpu.memory_space<hbm>>
        tpu.wait_dma2 semaphore(%run_scoped3A : memref<!tpu.dma_semaphore, #tpu.memory_space<semaphore_mem>>) src(%dma_wait3A_82 : memref<128xi32, #tpu.memory_space<hbm>>) dst(%arg10 : memref<128xi32, #tpu.memory_space<vmem>>)
        tpu.yield
      }) : () -> ()
      %dma_start3A_68 = arith.constant 0 : i32
      %dma_start3A_69 = arith.constant 0 : i32
      %dma_start3A_70 = tpu.memref_slice %arg2[%dma_start3A_68, %dma_start3A_69] : memref<10000x128xf32, #tpu.memory_space<hbm>> -> memref<10000x128xf32, #tpu.memory_space<hbm>>
      tpu.enqueue_indirect_dma source(%dma_start3A_70 : memref<10000x128xf32, #tpu.memory_space<hbm>>) target(%arg12 : memref<128x128xf32, #tpu.memory_space<vmem>>) offsets(%arg9 : memref<128xi32, #tpu.memory_space<vmem>>) semaphore(%arg15 : memref<!tpu.dma_semaphore, #tpu.memory_space<semaphore_mem>>)
    }
    %scan3A_18 = arith.constant 39 : i32
    %dma_wait3A = arith.constant 0 : i32
    %dma_wait3A_19 = arith.constant 0 : i32
    %dma_wait3A_20 = tpu.memref_slice %arg2[%dma_wait3A, %dma_wait3A_19] : memref<10000x128xf32, #tpu.memory_space<hbm>> -> memref<10000x128xf32, #tpu.memory_space<hbm>>
    tpu.wait_indirect_dma semaphore(%arg14 : memref<!tpu.dma_semaphore, #tpu.memory_space<semaphore_mem>>) src(%dma_wait3A_20 : memref<10000x128xf32, #tpu.memory_space<hbm>>) dst(%arg11 : memref<128x128xf32, #tpu.memory_space<vmem>>)
    "tpu.region"() ({
      %run_scoped3A = tpu.sem_alloc : memref<!tpu.dma_semaphore, #tpu.memory_space<semaphore_mem>>
      %dma_start3A_32 = arith.constant 0 : i32
      %dma_start3A_33 = arith.constant 0 : i32
      %dma_start3A_34 = tpu.memref_slice %arg13[%dma_start3A_32, %dma_start3A_33] : memref<10240x128xf32, #tpu.memory_space<vmem_shared>> -> memref<10240x128xf32, #tpu.memory_space<vmem_shared>>
      tpu.enqueue_indirect_dma source(%arg11 : memref<128x128xf32, #tpu.memory_space<vmem>>) target(%dma_start3A_34 : memref<10240x128xf32, #tpu.memory_space<vmem_shared>>) offsets(%arg8 : memref<128xi32, #tpu.memory_space<vmem>>) semaphore(%run_scoped3A : memref<!tpu.dma_semaphore, #tpu.memory_space<semaphore_mem>>) {add = true}
      %dma_wait3A_35 = arith.constant 0 : i32
      %dma_wait3A_36 = arith.constant 0 : i32
      %dma_wait3A_37 = tpu.memref_slice %arg13[%dma_wait3A_35, %dma_wait3A_36] : memref<10240x128xf32, #tpu.memory_space<vmem_shared>> -> memref<10240x128xf32, #tpu.memory_space<vmem_shared>>
      tpu.wait_indirect_dma semaphore(%run_scoped3A : memref<!tpu.dma_semaphore, #tpu.memory_space<semaphore_mem>>) src(%arg11 : memref<128x128xf32, #tpu.memory_space<vmem>>) dst(%dma_wait3A_37 : memref<10240x128xf32, #tpu.memory_space<vmem_shared>>)
      tpu.yield
    }) : () -> ()
    %dma_wait3A_21 = arith.constant 0 : i32
    %dma_wait3A_22 = arith.constant 0 : i32
    %dma_wait3A_23 = tpu.memref_slice %arg2[%dma_wait3A_21, %dma_wait3A_22] : memref<10000x128xf32, #tpu.memory_space<hbm>> -> memref<10000x128xf32, #tpu.memory_space<hbm>>
    tpu.wait_indirect_dma semaphore(%arg15 : memref<!tpu.dma_semaphore, #tpu.memory_space<semaphore_mem>>) src(%dma_wait3A_23 : memref<10000x128xf32, #tpu.memory_space<hbm>>) dst(%arg12 : memref<128x128xf32, #tpu.memory_space<vmem>>)
    "tpu.region"() ({
      %run_scoped3A = tpu.sem_alloc : memref<!tpu.dma_semaphore, #tpu.memory_space<semaphore_mem>>
      %dma_start3A_32 = arith.constant 0 : i32
      %dma_start3A_33 = arith.constant 0 : i32
      %dma_start3A_34 = tpu.memref_slice %arg13[%dma_start3A_32, %dma_start3A_33] : memref<10240x128xf32, #tpu.memory_space<vmem_shared>> -> memref<10240x128xf32, #tpu.memory_space<vmem_shared>>
      tpu.enqueue_indirect_dma source(%arg12 : memref<128x128xf32, #tpu.memory_space<vmem>>) target(%dma_start3A_34 : memref<10240x128xf32, #tpu.memory_space<vmem_shared>>) offsets(%arg10 : memref<128xi32, #tpu.memory_space<vmem>>) semaphore(%run_scoped3A : memref<!tpu.dma_semaphore, #tpu.memory_space<semaphore_mem>>) {add = true}
      %dma_wait3A_35 = arith.constant 0 : i32
      %dma_wait3A_36 = arith.constant 0 : i32
      %dma_wait3A_37 = tpu.memref_slice %arg13[%dma_wait3A_35, %dma_wait3A_36] : memref<10240x128xf32, #tpu.memory_space<vmem_shared>> -> memref<10240x128xf32, #tpu.memory_space<vmem_shared>>
      tpu.wait_indirect_dma semaphore(%run_scoped3A : memref<!tpu.dma_semaphore, #tpu.memory_space<semaphore_mem>>) src(%arg12 : memref<128x128xf32, #tpu.memory_space<vmem>>) dst(%dma_wait3A_37 : memref<10240x128xf32, #tpu.memory_space<vmem_shared>>)
      tpu.yield
    }) : () -> ()
    %barrier3A_24 = arith.constant 0 : index
    tpu.barrier barrier_id(%barrier3A_24)
    %mul3A_25 = arith.constant 640 : i32
    %mul3A_26 = arith.muli %arg1, %mul3A_25 : i32
    %mul3A_27 = arith.constant 10240 : i32
    %mul3A_28 = arith.muli %arg0, %mul3A_27 : i32
    %mul3A_29 = arith.constant 640 : i32
    %mul3A_30 = arith.muli %arg1, %mul3A_29 : i32
    %add3A_31 = arith.addi %mul3A_28, %mul3A_30 : i32
    "tpu.region"() ({
      %run_scoped3A = tpu.sem_alloc : memref<!tpu.dma_semaphore, #tpu.memory_space<semaphore_mem>>
      %dma_start3A_32 = arith.constant 0 : i32
      %dma_start3A_33 = tpu.memref_slice %arg6[%add3A_31, %dma_start3A_32] : memref<20480x128xf32, #tpu.memory_space<hbm>> -> memref<640x128xf32, #tpu.memory_space<hbm>>
      %dma_start3A_34 = arith.constant 0 : i32
      %dma_start3A_35 = tpu.memref_slice %arg13[%mul3A_26, %dma_start3A_34] : memref<10240x128xf32, #tpu.memory_space<vmem_shared>> -> memref<640x128xf32, #tpu.memory_space<vmem_shared>>
      tpu.enqueue_dma source(%dma_start3A_35 : memref<640x128xf32, #tpu.memory_space<vmem_shared>>) target(%dma_start3A_33 : memref<640x128xf32, #tpu.memory_space<hbm>>) target_semaphore(%run_scoped3A : memref<!tpu.dma_semaphore, #tpu.memory_space<semaphore_mem>>)
      %dma_wait3A_36 = arith.constant 0 : i32
      %dma_wait3A_37 = tpu.memref_slice %arg6[%add3A_31, %dma_wait3A_36] : memref<20480x128xf32, #tpu.memory_space<hbm>> -> memref<640x128xf32, #tpu.memory_space<hbm>>
      %dma_wait3A_38 = arith.constant 0 : i32
      %dma_wait3A_39 = tpu.memref_slice %arg13[%mul3A_26, %dma_wait3A_38] : memref<10240x128xf32, #tpu.memory_space<vmem_shared>> -> memref<640x128xf32, #tpu.memory_space<vmem_shared>>
      tpu.wait_dma2 semaphore(%run_scoped3A : memref<!tpu.dma_semaphore, #tpu.memory_space<semaphore_mem>>) src(%dma_wait3A_39 : memref<640x128xf32, #tpu.memory_space<vmem_shared>>) dst(%dma_wait3A_37 : memref<640x128xf32, #tpu.memory_space<hbm>>)
      tpu.yield
    }) : () -> ()
    return
  }
}

module attributes {stable_mosaic.version = 14 : i64} {
  func.func @_mm1_body(%arg0: i32, %arg1: memref<2000x128xf32, #tpu.memory_space<vmem>>, %arg2: memref<128x128xf32, #tpu.memory_space<vmem>>, %arg3: memref<2000x128xf32, #tpu.memory_space<vmem>>, %arg4: memref<2000x128xf32, #tpu.memory_space<vmem>>, %arg5: memref<2000x128xf32, #tpu.memory_space<vmem>>, %arg6: memref<2000x128xf32, #tpu.memory_space<vmem>>) attributes {dimension_semantics = [#tpu.dimension_semantics<arbitrary>], iteration_bounds = array<i64: 5>, scalar_prefetch = 0 : i64, scratch_operands = 0 : i64, tpu.core_type = #tpu.core_type<tc>, window_params = [{transform_indices = @transform_0, window_bounds = array<i64: 2000, 128>}, {pipeline_mode = #tpu.pipeline_mode<synchronous>, transform_indices = @transform_1, window_bounds = array<i64: 128, 128>}, {transform_indices = @transform_2, window_bounds = array<i64: 2000, 128>}, {transform_indices = @transform_3, window_bounds = array<i64: 2000, 128>}, {transform_indices = @transform_4, window_bounds = array<i64: 2000, 128>}, {transform_indices = @transform_5, window_bounds = array<i64: 2000, 128>}]} {
    %get3A = arith.constant 0 : index
    %get3A_0 = arith.constant 0 : index
    %get3A_1 = vector.load %arg3[%get3A, %get3A_0] : memref<2000x128xf32, #tpu.memory_space<vmem>>, vector<2000x128xf32>
    %get3A_2 = arith.constant 0 : index
    %get3A_3 = arith.constant 0 : index
    %get3A_4 = vector.load %arg4[%get3A_2, %get3A_3] : memref<2000x128xf32, #tpu.memory_space<vmem>>, vector<2000x128xf32>
    %add3A = arith.addf %get3A_1, %get3A_4 : vector<2000x128xf32>
    %add3A_5 = arith.constant 1.000000e+00 : f32
    %add3A_6 = vector.broadcast %add3A_5 : f32 to vector<2000x128xf32>
    %add3A_7 = arith.addf %add3A, %add3A_6 : vector<2000x128xf32>
    %rsqrt3A = math.rsqrt %add3A_7 : vector<2000x128xf32>
    %swap3A = arith.constant 0 : index
    %swap3A_8 = arith.constant 0 : index
    %swap3A_9 = vector.load %arg6[%swap3A, %swap3A_8] : memref<2000x128xf32, #tpu.memory_space<vmem>>, vector<2000x128xf32>
    tpu.vector_store %arg6[%swap3A, %swap3A_8], %rsqrt3A {strides = array<i32>} : memref<2000x128xf32, #tpu.memory_space<vmem>>, vector<2000x128xf32>,
    %get3A_10 = arith.constant 0 : index
    %get3A_11 = arith.constant 0 : index
    %get3A_12 = vector.load %arg1[%get3A_10, %get3A_11] : memref<2000x128xf32, #tpu.memory_space<vmem>>, vector<2000x128xf32>
    %get3A_13 = arith.constant 0 : index
    %get3A_14 = arith.constant 0 : index
    %get3A_15 = vector.load %arg2[%get3A_13, %get3A_14] : memref<128x128xf32, #tpu.memory_space<vmem>>, vector<128x128xf32>
    %dot_general3A = arith.constant dense<0.000000e+00> : vector<2000x128xf32>
    %dot_general3A_16 = tpu.matmul %get3A_12, %get3A_15, %dot_general3A {dimension_numbers = #tpu.dot_dimension_numbers<[1], [0], [0], [1], [0, 0, 1, 1], [], []>, transpose_lhs_hint = false} : vector<2000x128xf32>, vector<128x128xf32>, vector<2000x128xf32> -> vector<2000x128xf32>
    %mul3A = arith.mulf %dot_general3A_16, %rsqrt3A : vector<2000x128xf32>
    %swap3A_17 = arith.constant 0 : index
    %swap3A_18 = arith.constant 0 : index
    %swap3A_19 = vector.load %arg5[%swap3A_17, %swap3A_18] : memref<2000x128xf32, #tpu.memory_space<vmem>>, vector<2000x128xf32>
    tpu.vector_store %arg5[%swap3A_17, %swap3A_18], %mul3A {strides = array<i32>} : memref<2000x128xf32, #tpu.memory_space<vmem>>, vector<2000x128xf32>,
    return
  }
  func.func @transform_0(%arg0: i32) -> (i32, i32) {
    %c0_i32 = arith.constant 0 : i32
    %c0_i32_0 = arith.constant 0 : i32
    return %arg0, %c0_i32 : i32, i32
  }
  func.func @transform_1(%arg0: i32) -> (i32, i32) {
    %c0_i32 = arith.constant 0 : i32
    %c0_i32_0 = arith.constant 0 : i32
    %c0_i32_1 = arith.constant 0 : i32
    return %c0_i32, %c0_i32_0 : i32, i32
  }
  func.func @transform_2(%arg0: i32) -> (i32, i32) {
    %c0_i32 = arith.constant 0 : i32
    %c0_i32_0 = arith.constant 0 : i32
    return %arg0, %c0_i32 : i32, i32
  }
  func.func @transform_3(%arg0: i32) -> (i32, i32) {
    %c0_i32 = arith.constant 0 : i32
    %c0_i32_0 = arith.constant 0 : i32
    return %arg0, %c0_i32 : i32, i32
  }
  func.func @transform_4(%arg0: i32) -> (i32, i32) {
    %c0_i32 = arith.constant 0 : i32
    %c0_i32_0 = arith.constant 0 : i32
    return %arg0, %c0_i32 : i32, i32
  }
  func.func @transform_5(%arg0: i32) -> (i32, i32) {
    %c0_i32 = arith.constant 0 : i32
    %c0_i32_0 = arith.constant 0 : i32
    return %arg0, %c0_i32 : i32, i32
  }
}

module attributes {stable_mosaic.version = 14 : i64} {
  func.func @_mid_body(%arg0: i32, %arg1: memref<2000x128xf32, #tpu.memory_space<vmem>>, %arg2: memref<2000x128xf32, #tpu.memory_space<vmem>>, %arg3: memref<2000x128xf32, #tpu.memory_space<vmem>>, %arg4: memref<2000x128xf32, #tpu.memory_space<vmem>>, %arg5: memref<1x128xf32, #tpu.memory_space<vmem>>, %arg6: memref<128x128xf32, #tpu.memory_space<vmem>>, %arg7: memref<2000x128xf32, #tpu.memory_space<vmem>>) attributes {dimension_semantics = [#tpu.dimension_semantics<arbitrary>], iteration_bounds = array<i64: 5>, scalar_prefetch = 0 : i64, scratch_operands = 0 : i64, tpu.core_type = #tpu.core_type<tc>, window_params = [{transform_indices = @transform_0, window_bounds = array<i64: 2000, 128>}, {transform_indices = @transform_1, window_bounds = array<i64: 2000, 128>}, {transform_indices = @transform_2, window_bounds = array<i64: 2000, 128>}, {transform_indices = @transform_3, window_bounds = array<i64: 2000, 128>}, {pipeline_mode = #tpu.pipeline_mode<synchronous>, transform_indices = @transform_4, window_bounds = array<i64: 1, 128>}, {pipeline_mode = #tpu.pipeline_mode<synchronous>, transform_indices = @transform_5, window_bounds = array<i64: 128, 128>}, {transform_indices = @transform_6, window_bounds = array<i64: 2000, 128>}]} {
    %get3A = arith.constant 0 : index
    %get3A_0 = arith.constant 0 : index
    %get3A_1 = vector.load %arg4[%get3A, %get3A_0] : memref<2000x128xf32, #tpu.memory_space<vmem>>, vector<2000x128xf32>
    %get3A_2 = arith.constant 0 : index
    %get3A_3 = arith.constant 0 : index
    %get3A_4 = vector.load %arg1[%get3A_2, %get3A_3] : memref<2000x128xf32, #tpu.memory_space<vmem>>, vector<2000x128xf32>
    %get3A_5 = arith.constant 0 : index
    %get3A_6 = arith.constant 0 : index
    %get3A_7 = vector.load %arg2[%get3A_5, %get3A_6] : memref<2000x128xf32, #tpu.memory_space<vmem>>, vector<2000x128xf32>
    %add3A = arith.addf %get3A_4, %get3A_7 : vector<2000x128xf32>
    %get3A_8 = arith.constant 0 : index
    %get3A_9 = arith.constant 0 : index
    %get3A_10 = vector.load %arg3[%get3A_8, %get3A_9] : memref<2000x128xf32, #tpu.memory_space<vmem>>, vector<2000x128xf32>
    %add3A_11 = arith.addf %add3A, %get3A_10 : vector<2000x128xf32>
    %mul3A = arith.mulf %get3A_1, %add3A_11 : vector<2000x128xf32>
    %get3A_12 = arith.constant 0 : index
    %get3A_13 = arith.constant 0 : index
    %get3A_14 = vector.load %arg5[%get3A_12, %get3A_13] : memref<1x128xf32, #tpu.memory_space<vmem>>, vector<1x128xf32>
    %add3A_15 = vector.broadcast %get3A_14 : vector<1x128xf32> to vector<2000x128xf32>
    %add3A_16 = arith.addf %mul3A, %add3A_15 : vector<2000x128xf32>
    %max3A = arith.constant 0.000000e+00 : f32
    %max3A_17 = vector.broadcast %max3A : f32 to vector<2000x128xf32>
    %max3A_18 = arith.maximumf %add3A_16, %max3A_17 : vector<2000x128xf32>
    %get3A_19 = arith.constant 0 : index
    %get3A_20 = arith.constant 0 : index
    %get3A_21 = vector.load %arg6[%get3A_19, %get3A_20] : memref<128x128xf32, #tpu.memory_space<vmem>>, vector<128x128xf32>
    %dot_general3A = arith.constant dense<0.000000e+00> : vector<2000x128xf32>
    %dot_general3A_22 = tpu.matmul %max3A_18, %get3A_21, %dot_general3A {dimension_numbers = #tpu.dot_dimension_numbers<[1], [0], [0], [1], [0, 0, 1, 1], [], []>, transpose_lhs_hint = false} : vector<2000x128xf32>, vector<128x128xf32>, vector<2000x128xf32> -> vector<2000x128xf32>
    %get3A_23 = arith.constant 0 : index
    %get3A_24 = arith.constant 0 : index
    %get3A_25 = vector.load %arg4[%get3A_23, %get3A_24] : memref<2000x128xf32, #tpu.memory_space<vmem>>, vector<2000x128xf32>
    %mul3A_26 = arith.mulf %dot_general3A_22, %get3A_25 : vector<2000x128xf32>
    %swap3A = arith.constant 0 : index
    %swap3A_27 = arith.constant 0 : index
    %swap3A_28 = vector.load %arg7[%swap3A, %swap3A_27] : memref<2000x128xf32, #tpu.memory_space<vmem>>, vector<2000x128xf32>
    tpu.vector_store %arg7[%swap3A, %swap3A_27], %mul3A_26 {strides = array<i32>} : memref<2000x128xf32, #tpu.memory_space<vmem>>, vector<2000x128xf32>,
    return
  }
  func.func @transform_0(%arg0: i32) -> (i32, i32) {
    %c0_i32 = arith.constant 0 : i32
    %c0_i32_0 = arith.constant 0 : i32
    return %arg0, %c0_i32 : i32, i32
  }
  func.func @transform_1(%arg0: i32) -> (i32, i32) {
    %c0_i32 = arith.constant 0 : i32
    %c0_i32_0 = arith.constant 0 : i32
    return %arg0, %c0_i32 : i32, i32
  }
  func.func @transform_2(%arg0: i32) -> (i32, i32) {
    %c0_i32 = arith.constant 0 : i32
    %c0_i32_0 = arith.constant 0 : i32
    return %arg0, %c0_i32 : i32, i32
  }
  func.func @transform_3(%arg0: i32) -> (i32, i32) {
    %c0_i32 = arith.constant 0 : i32
    %c0_i32_0 = arith.constant 0 : i32
    return %arg0, %c0_i32 : i32, i32
  }
  func.func @transform_4(%arg0: i32) -> (i32, i32) {
    %c0_i32 = arith.constant 0 : i32
    %c0_i32_0 = arith.constant 0 : i32
    %c0_i32_1 = arith.constant 0 : i32
    return %c0_i32, %c0_i32_0 : i32, i32
  }
  func.func @transform_5(%arg0: i32) -> (i32, i32) {
    %c0_i32 = arith.constant 0 : i32
    %c0_i32_0 = arith.constant 0 : i32
    %c0_i32_1 = arith.constant 0 : i32
    return %c0_i32, %c0_i32_0 : i32, i32
  }
  func.func @transform_6(%arg0: i32) -> (i32, i32) {
    %c0_i32 = arith.constant 0 : i32
    %c0_i32_0 = arith.constant 0 : i32
    return %arg0, %c0_i32 : i32, i32
  }
}

module attributes {stable_mosaic.version = 14 : i64} {
  func.func @_final_body(%arg0: i32, %arg1: memref<2000x128xf32, #tpu.memory_space<vmem>>, %arg2: memref<2000x128xf32, #tpu.memory_space<vmem>>, %arg3: memref<2000x128xf32, #tpu.memory_space<vmem>>, %arg4: memref<2000x128xf32, #tpu.memory_space<vmem>>, %arg5: memref<1x128xf32, #tpu.memory_space<vmem>>, %arg6: memref<2000x128xf32, #tpu.memory_space<vmem>>, %arg7: memref<128x10xf32, #tpu.memory_space<vmem>>, %arg8: memref<1x10xf32, #tpu.memory_space<vmem>>, %arg9: memref<128x10xf32, #tpu.memory_space<vmem>>, %arg10: memref<128x128xf32, #tpu.memory_space<vmem>>, %arg11: memref<1x128xf32, #tpu.memory_space<vmem>>) attributes {dimension_semantics = [#tpu.dimension_semantics<arbitrary>], iteration_bounds = array<i64: 5>, scalar_prefetch = 0 : i64, scratch_operands = 2 : i64, tpu.core_type = #tpu.core_type<tc>, window_params = [{transform_indices = @transform_0, window_bounds = array<i64: 2000, 128>}, {transform_indices = @transform_1, window_bounds = array<i64: 2000, 128>}, {transform_indices = @transform_2, window_bounds = array<i64: 2000, 128>}, {transform_indices = @transform_3, window_bounds = array<i64: 2000, 128>}, {pipeline_mode = #tpu.pipeline_mode<synchronous>, transform_indices = @transform_4, window_bounds = array<i64: 1, 128>}, {transform_indices = @transform_5, window_bounds = array<i64: 2000, 128>}, {pipeline_mode = #tpu.pipeline_mode<synchronous>, transform_indices = @transform_6, window_bounds = array<i64: 128, 10>}, {pipeline_mode = #tpu.pipeline_mode<synchronous>, transform_indices = @transform_7, window_bounds = array<i64: 1, 10>}, {pipeline_mode = #tpu.pipeline_mode<synchronous>, transform_indices = @transform_8, window_bounds = array<i64: 128, 10>}]} {
    %eq3A = arith.constant 0 : i32
    %eq3A_0 = arith.cmpi eq, %arg0, %eq3A : i32
    %convert_element_type3A = arith.extui %eq3A_0 : i1 to i32
    %cond3A = arith.constant 0 : i32
    %cond3A_1 = arith.cmpi ne, %convert_element_type3A, %cond3A : i32
    scf.if %cond3A_1 {
      %broadcast_in_dim3A_51 = arith.constant 0.000000e+00 : f32
      %broadcast_in_dim3A_52 = vector.broadcast %broadcast_in_dim3A_51 : f32 to vector<128x128xf32>
      %swap3A_53 = arith.constant 0 : index
      %swap3A_54 = arith.constant 0 : index
      %swap3A_55 = vector.load %arg10[%swap3A_53, %swap3A_54] : memref<128x128xf32, #tpu.memory_space<vmem>>, vector<128x128xf32>
      tpu.vector_store %arg10[%swap3A_53, %swap3A_54], %broadcast_in_dim3A_52 {strides = array<i32>} : memref<128x128xf32, #tpu.memory_space<vmem>>, vector<128x128xf32>,
      %broadcast_in_dim3A_56 = arith.constant 0.000000e+00 : f32
      %broadcast_in_dim3A_57 = vector.broadcast %broadcast_in_dim3A_56 : f32 to vector<1x128xf32>
      %swap3A_58 = arith.constant 0 : index
      %swap3A_59 = arith.constant 0 : index
      %swap3A_60 = vector.load %arg11[%swap3A_58, %swap3A_59] : memref<1x128xf32, #tpu.memory_space<vmem>>, vector<1x128xf32>
      tpu.vector_store %arg11[%swap3A_58, %swap3A_59], %broadcast_in_dim3A_57 {strides = array<i32>} : memref<1x128xf32, #tpu.memory_space<vmem>>, vector<1x128xf32>,
    } else {
    }
    %get3A = arith.constant 0 : index
    %get3A_2 = arith.constant 0 : index
    %get3A_3 = vector.load %arg4[%get3A, %get3A_2] : memref<2000x128xf32, #tpu.memory_space<vmem>>, vector<2000x128xf32>
    %get3A_4 = arith.constant 0 : index
    %get3A_5 = arith.constant 0 : index
    %get3A_6 = vector.load %arg1[%get3A_4, %get3A_5] : memref<2000x128xf32, #tpu.memory_space<vmem>>, vector<2000x128xf32>
    %get3A_7 = arith.constant 0 : index
    %get3A_8 = arith.constant 0 : index
    %get3A_9 = vector.load %arg2[%get3A_7, %get3A_8] : memref<2000x128xf32, #tpu.memory_space<vmem>>, vector<2000x128xf32>
    %add3A = arith.addf %get3A_6, %get3A_9 : vector<2000x128xf32>
    %get3A_10 = arith.constant 0 : index
    %get3A_11 = arith.constant 0 : index
    %get3A_12 = vector.load %arg3[%get3A_10, %get3A_11] : memref<2000x128xf32, #tpu.memory_space<vmem>>, vector<2000x128xf32>
    %add3A_13 = arith.addf %add3A, %get3A_12 : vector<2000x128xf32>
    %mul3A = arith.mulf %get3A_3, %add3A_13 : vector<2000x128xf32>
    %get3A_14 = arith.constant 0 : index
    %get3A_15 = arith.constant 0 : index
    %get3A_16 = vector.load %arg5[%get3A_14, %get3A_15] : memref<1x128xf32, #tpu.memory_space<vmem>>, vector<1x128xf32>
    %add3A_17 = vector.broadcast %get3A_16 : vector<1x128xf32> to vector<2000x128xf32>
    %add3A_18 = arith.addf %mul3A, %add3A_17 : vector<2000x128xf32>
    %max3A = arith.constant 0.000000e+00 : f32
    %max3A_19 = vector.broadcast %max3A : f32 to vector<2000x128xf32>
    %max3A_20 = arith.maximumf %add3A_18, %max3A_19 : vector<2000x128xf32>
    %get3A_21 = arith.constant 0 : index
    %get3A_22 = arith.constant 0 : index
    %get3A_23 = vector.load %arg6[%get3A_21, %get3A_22] : memref<2000x128xf32, #tpu.memory_space<vmem>>, vector<2000x128xf32>
    %iota3A = tpu.iota {dimensions = array<i32: 1>} : vector<2000x128xi32>
    %convert_element_type3A_24 = arith.sitofp %iota3A : vector<2000x128xi32> to vector<2000x128xf32>
    %eq3A_25 = arith.cmpf oeq, %get3A_23, %convert_element_type3A_24 : vector<2000x128xf32>
    %jit3A = arith.constant 1.000000e+00 : f32
    %jit3A_26 = arith.constant 0.000000e+00 : f32
    %broadcast_in_dim3A = vector.broadcast %jit3A : f32 to vector<2000x128xf32>
    %broadcast_in_dim3A_27 = vector.broadcast %jit3A_26 : f32 to vector<2000x128xf32>
    %select_n3A = arith.select %eq3A_25, %broadcast_in_dim3A, %broadcast_in_dim3A_27 : vector<2000x128xi1>, vector<2000x128xf32>
    %get3A_28 = arith.constant 0 : index
    %get3A_29 = arith.constant 0 : index
    %get3A_30 = vector.load %arg10[%get3A_28, %get3A_29] : memref<128x128xf32, #tpu.memory_space<vmem>>, vector<128x128xf32>
    %dot_general3A = arith.constant dense<0.000000e+00> : vector<128x128xf32>
    %dot_general3A_31 = tpu.matmul %max3A_20, %select_n3A, %dot_general3A {dimension_numbers = #tpu.dot_dimension_numbers<[0], [0], [1], [1], [0, 1, 1, 1], [], []>, transpose_lhs_hint = false} : vector<2000x128xf32>, vector<2000x128xf32>, vector<128x128xf32> -> vector<128x128xf32>
    %add3A_32 = arith.addf %get3A_30, %dot_general3A_31 : vector<128x128xf32>
    %swap3A = arith.constant 0 : index
    %swap3A_33 = arith.constant 0 : index
    %swap3A_34 = vector.load %arg10[%swap3A, %swap3A_33] : memref<128x128xf32, #tpu.memory_space<vmem>>, vector<128x128xf32>
    tpu.vector_store %arg10[%swap3A, %swap3A_33], %add3A_32 {strides = array<i32>} : memref<128x128xf32, #tpu.memory_space<vmem>>, vector<128x128xf32>,
    %get3A_35 = arith.constant 0 : index
    %get3A_36 = arith.constant 0 : index
    %get3A_37 = vector.load %arg11[%get3A_35, %get3A_36] : memref<1x128xf32, #tpu.memory_space<vmem>>, vector<1x128xf32>
    %broadcast_in_dim3A_38 = arith.constant 1.000000e+00 : f32
    %broadcast_in_dim3A_39 = vector.broadcast %broadcast_in_dim3A_38 : f32 to vector<1x2000xf32>
    %dot_general3A_40 = arith.constant dense<0.000000e+00> : vector<1x128xf32>
    %dot_general3A_41 = tpu.matmul %broadcast_in_dim3A_39, %select_n3A, %dot_general3A_40 {dimension_numbers = #tpu.dot_dimension_numbers<[1], [0], [0], [1], [0, 0, 1, 1], [], []>, transpose_lhs_hint = false} : vector<1x2000xf32>, vector<2000x128xf32>, vector<1x128xf32> -> vector<1x128xf32>
    %add3A_42 = arith.addf %get3A_37, %dot_general3A_41 : vector<1x128xf32>
    %swap3A_43 = arith.constant 0 : index
    %swap3A_44 = arith.constant 0 : index
    %swap3A_45 = vector.load %arg11[%swap3A_43, %swap3A_44] : memref<1x128xf32, #tpu.memory_space<vmem>>, vector<1x128xf32>
    tpu.vector_store %arg11[%swap3A_43, %swap3A_44], %add3A_42 {strides = array<i32>} : memref<1x128xf32, #tpu.memory_space<vmem>>, vector<1x128xf32>,
    %eq3A_46 = arith.constant 4 : i32
    %eq3A_47 = arith.cmpi eq, %arg0, %eq3A_46 : i32
    %convert_element_type3A_48 = arith.extui %eq3A_47 : i1 to i32
    %cond3A_49 = arith.constant 0 : i32
    %cond3A_50 = arith.cmpi ne, %convert_element_type3A_48, %cond3A_49 : i32
    scf.if %cond3A_50 {
      %get3A_51 = arith.constant 0 : index
      %get3A_52 = arith.constant 0 : index
      %get3A_53 = vector.load %arg10[%get3A_51, %get3A_52] : memref<128x128xf32, #tpu.memory_space<vmem>>, vector<128x128xf32>
      %get3A_54 = arith.constant 0 : index
      %get3A_55 = arith.constant 0 : index
      %get3A_56 = vector.load %arg11[%get3A_54, %get3A_55] : memref<1x128xf32, #tpu.memory_space<vmem>>, vector<1x128xf32>
      %max3A_57 = arith.constant 1.000000e+00 : f32
      %max3A_58 = vector.broadcast %max3A_57 : f32 to vector<1x128xf32>
      %max3A_59 = arith.maximumf %get3A_56, %max3A_58 : vector<1x128xf32>
      %div3A = vector.broadcast %max3A_59 : vector<1x128xf32> to vector<128x128xf32>
      %div3A_60 = arith.divf %get3A_53, %div3A : vector<128x128xf32>
      %get3A_61 = arith.constant 0 : index
      %get3A_62 = arith.constant 0 : index
      %get3A_63 = vector.load %arg7[%get3A_61, %get3A_62] : memref<128x10xf32, #tpu.memory_space<vmem>>, vector<128x10xf32>
      %dot_general3A_64 = arith.constant dense<0.000000e+00> : vector<128x10xf32>
      %dot_general3A_65 = tpu.matmul %div3A_60, %get3A_63, %dot_general3A_64 {dimension_numbers = #tpu.dot_dimension_numbers<[0], [0], [1], [1], [0, 1, 1, 1], [], []>, transpose_lhs_hint = false} : vector<128x128xf32>, vector<128x10xf32>, vector<128x10xf32> -> vector<128x10xf32>
      %get3A_66 = arith.constant 0 : index
      %get3A_67 = arith.constant 0 : index
      %get3A_68 = vector.load %arg8[%get3A_66, %get3A_67] : memref<1x10xf32, #tpu.memory_space<vmem>>, vector<1x10xf32>
      %add3A_69 = vector.broadcast %get3A_68 : vector<1x10xf32> to vector<128x10xf32>
      %add3A_70 = arith.addf %dot_general3A_65, %add3A_69 : vector<128x10xf32>
      %swap3A_71 = arith.constant 0 : index
      %swap3A_72 = arith.constant 0 : index
      %swap3A_73 = vector.load %arg9[%swap3A_71, %swap3A_72] : memref<128x10xf32, #tpu.memory_space<vmem>>, vector<128x10xf32>
      tpu.vector_store %arg9[%swap3A_71, %swap3A_72], %add3A_70 {strides = array<i32>} : memref<128x10xf32, #tpu.memory_space<vmem>>, vector<128x10xf32>,
    } else {
    }
    return
  }
  func.func @transform_0(%arg0: i32) -> (i32, i32) {
    %c0_i32 = arith.constant 0 : i32
    %c0_i32_0 = arith.constant 0 : i32
    return %arg0, %c0_i32 : i32, i32
  }
  func.func @transform_1(%arg0: i32) -> (i32, i32) {
    %c0_i32 = arith.constant 0 : i32
    %c0_i32_0 = arith.constant 0 : i32
    return %arg0, %c0_i32 : i32, i32
  }
  func.func @transform_2(%arg0: i32) -> (i32, i32) {
    %c0_i32 = arith.constant 0 : i32
    %c0_i32_0 = arith.constant 0 : i32
    return %arg0, %c0_i32 : i32, i32
  }
  func.func @transform_3(%arg0: i32) -> (i32, i32) {
    %c0_i32 = arith.constant 0 : i32
    %c0_i32_0 = arith.constant 0 : i32
    return %arg0, %c0_i32 : i32, i32
  }
  func.func @transform_4(%arg0: i32) -> (i32, i32) {
    %c0_i32 = arith.constant 0 : i32
    %c0_i32_0 = arith.constant 0 : i32
    %c0_i32_1 = arith.constant 0 : i32
    return %c0_i32, %c0_i32_0 : i32, i32
  }
  func.func @transform_5(%arg0: i32) -> (i32, i32) {
    %c0_i32 = arith.constant 0 : i32
    %c0_i32_0 = arith.constant 0 : i32
    return %arg0, %c0_i32 : i32, i32
  }
  func.func @transform_6(%arg0: i32) -> (i32, i32) {
    %c0_i32 = arith.constant 0 : i32
    %c0_i32_0 = arith.constant 0 : i32
    %c0_i32_1 = arith.constant 0 : i32
    return %c0_i32, %c0_i32_0 : i32, i32
  }
  func.func @transform_7(%arg0: i32) -> (i32, i32) {
    %c0_i32 = arith.constant 0 : i32
    %c0_i32_0 = arith.constant 0 : i32
    %c0_i32_1 = arith.constant 0 : i32
    return %c0_i32, %c0_i32_0 : i32, i32
  }
  func.func @transform_8(%arg0: i32) -> (i32, i32) {
    %c0_i32 = arith.constant 0 : i32
    %c0_i32_0 = arith.constant 0 : i32
    %c0_i32_1 = arith.constant 0 : i32
    return %c0_i32, %c0_i32_0 : i32, i32
  }
}

</mosaic_0001>

<sc_bundles>
// kernel: kernel.11.cloned.1.call-start
scs
__scs_entry_jumppad:
0x0: {  	(pc) =	sbr.rel $0x88, $3  }
0x1: {  	(tag) =	ssettag $0x0;
	lr =	simm.s32 $0x1  }
0x2: {  	[smem:$0x3F98] =	sst lr;
	_ =	strace $0xD0000000  }
0x3: {  	_ = 	snop  }
0x4: {  	_ = 	snop  }
0x5: {  	_ = 	snop  }
0x6: {  	_ = 	snop  }
0x7: {  	_ = 	snop  }
__scs_overlays_trampoline_lowered:
0x8: {  	[smem:$0x3FA7] =	sst s0  }
0x9: {  	[smem:$0x3FA8] =	sst s1  }
0xa: {  	[smem:$0x3FA9] =	sst s2  }
0xb: {  	[smem:$0x3FAA] =	sst s3  }
0xc: {  	[smem:$0x3FAB] =	sst s4  }
0xd: {  	[smem:$0x3FAC] =	sst s5  }
0xe: {  	[smem:$0x3FAD] =	sst s6  }
0xf: {  	[smem:$0x3FAE] =	sst s7  }
0x10: {  	[smem:$0x3FAF] =	sst s8  }
0x11: {  	[smem:$0x3FB0] =	sst s9;
	s0 =	simm.s32 @!p0 $0x0  }
0x12: {  	s1 =	sld [smem:$0x3F96];
	s0 =	simm.s32 @p0 $0x1  }
0x13: {  	[smem:$0x3FB1] =	sst s0;
	s0 =	simm.s32 @!p1 $0x0  }
0x14: {  	s2 =	sld [smem:$0x3F95];
	s0 =	simm.s32 @p1 $0x1  }
0x15: {  	[smem:$0x3FB2] =	sst s0;
	s0 =	simm.s32 @!p2 $0x0  }
0x16: {  	s3 =	sld [smem:$0x3FDB];
	s0 =	simm.s32 @p2 $0x1  }
0x17: {  	s4 =	simm.s32 $0x1BF5;
	[smem:$0x3FB4] =	sst s0  }
0x18: {  	s0 =	sld [smem:$0x3F97];
	_ =	swait.ge [sflag:s4], $0x0  }
0x19: {  	s7 =	sld [smem:$0x3F98]  }
0x1a: {  	s8 =	sadd.s32 $0xFFFFE003, lr  }
0x1b: {  	s9 =	sadd.s32 $0xFFFFFEF7, lr;
	s5 =	simm.s32 $0xFFFFFFFF;
	p2 =	slt.u32 s8, $0xFFFFF086  }
0x1c: {  	p1 =	slt.u32 s9, $0xF7A;
	s5 =	simm.s32 @!p2 $0x0  }
0x1d: {  	s5 =	simm.s32 @p1 $0x1;
	p0 =	seq.s32 s7, s2  }
0x1e: {  	s7 =	smul.u32 @!p0 $0xF7A, s2;
	p2 =	seq.s32 @!p0 s5, $0x0  }
0x1f: {  	s9 =	smul.u32 $0xF7A, s1;
	s8 =	simm.s32 @!p0 $0x1BF5;
	p2 =	por !p2, p0  }
0x20: {  	[sflag:s8] =	ssyncset.s32 @!p0 $0xFFFFF086;
	s6 =	sadd.s32 @!p0 s3, s7;
	s7 =	simm.s32 @!p0 $0x108  }
0x21: {  	s3 =	sadd.s32 s3, s9;
	s6 =	sadd.s32 @!p0 $0x88, s6;
	s7 =	simm.s32 @p2 $0x1082  }
0x22: {  	[simem:s7], [sflag:s8] =	dma.local @!p0 [hbm:s6], $0xF7A  }
0x23: {  	s9 =	sor.u32 $0xD0000000, s2;
	s6 =	simm.s32 $0x108;
	_ =	swait.ge @!p0 [sflag:s8], $0x0  }
0x24: {  	s3 =	sadd.s32 $0x88, s3;
	s6 =	simm.s32 @!p1 $0x1082;
	[sflag:s4] =	ssyncset.s32 $0xFFFFF086  }
0x25: {  	[simem:s6], [sflag:s4] =	dma.local [hbm:s3], $0xF7A  }
0x26: {  	[smem:$0x3F98] =	sst s1;
	(tag) =	ssettag s2;
	_ =	strace s9  }
0x27: {  	s1 =	sld [smem:$0x3FA8]  }
0x28: {  	s2 =	sld [smem:$0x3FA9]  }
0x29: {  	s4 =	sld [smem:$0x3FAB]  }
0x2a: {  	p0 =	seq.s32 s5, $0x0;
	s5 =	sld [smem:$0x3FAC]  }
0x2b: {  	s6 =	sld [smem:$0x3FAD]  }
0x2c: {  	s7 =	sld [smem:$0x3FAE]  }
0x2d: {  	s3 =	simm.s32 $0x108;
	s8 =	sld [smem:$0x3FAF]  }
0x2e: {  	s3 =	simm.s32 @!p0 $0x1082;
	s9 =	sld [smem:$0x3FB0]  }
0x2f: {  	lr =	sadd.s32 s0, s3;
	s0 =	sld [smem:$0x3FA7]  }
0x30: {  	s3 =	sld [smem:$0x3FAA]  }
0x31: {  	[smem:$0x3FB3] =	sst s10  }
0x32: {  	s10 =	sld [smem:$0x3FB1];
	_ =	sdelay $0x3  }
0x33: {  	p0 =	seq.s32 s10, $0x1;
	s10 =	sld [smem:$0x3FB3];
	_ =	sdelay $0x3  }
0x34: {  	[smem:$0x3FB3] =	sst s10  }
0x35: {  	s10 =	sld [smem:$0x3FB2];
	_ =	sdelay $0x3  }
0x36: {  	p1 =	seq.s32 s10, $0x1;
	s10 =	sld [smem:$0x3FB3];
	_ =	sdelay $0x3  }
0x37: {  	[smem:$0x3FB3] =	sst s10  }
0x38: {  	s10 =	sld [smem:$0x3FB4]  }
0x39: {  	_ = 	snop;
	(pc) =	sbr.ind lr, $3  }
0x3a: {  	_ = 	snop  }
0x3b: {  	_ = 	snop  }
0x3c: {  	p2 =	seq.s32 s10, $0x1;
	s10 =	sld [smem:$0x3FB3]  }
0x3d: {  	_ =	shalt  }
0x3e: {  	_ =	shalt  }
0x3f: {  	_ =	shalt  }
0x40: {  	_ =	shalt  }
0x41: {  	_ =	shalt  }
0x42: {  	_ =	shalt  }
0x43: {  	_ =	shalt  }
0x44: {  	_ =	shalt  }
0x45: {  	_ =	shalt  }
0x46: {  	_ =	shalt  }
0x47: {  	_ =	shalt  }
0x48: {  	_ =	shalt  }
0x49: {  	_ =	shalt  }
0x4a: {  	_ =	shalt  }
0x4b: {  	_ =	shalt  }
0x4c: {  	_ =	shalt  }
0x4d: {  	_ =	shalt  }
0x4e: {  	_ =	shalt  }
0x4f: {  	_ =	shalt  }
0x50: {  	_ =	shalt  }
0x51: {  	_ =	shalt  }
0x52: {  	_ =	shalt  }
0x53: {  	_ =	shalt  }
0x54: {  	_ =	shalt  }
0x55: {  	_ =	shalt  }
0x56: {  	_ =	shalt  }
0x57: {  	_ =	shalt  }
0x58: {  	_ =	shalt  }
0x59: {  	_ =	shalt  }
0x5a: {  	_ =	shalt  }
0x5b: {  	_ =	shalt  }
0x5c: {  	_ =	shalt  }
0x5d: {  	_ =	shalt  }
0x5e: {  	_ =	shalt  }
0x5f: {  	_ =	shalt  }
0x60: {  	_ =	shalt  }
0x61: {  	_ =	shalt  }
0x62: {  	_ =	shalt  }
0x63: {  	_ =	shalt  }
0x64: {  	_ =	shalt  }
0x65: {  	_ =	shalt  }
0x66: {  	_ =	shalt  }
0x67: {  	_ =	shalt  }
0x68: {  	_ =	shalt  }
0x69: {  	_ =	shalt  }
0x6a: {  	_ =	shalt  }
0x6b: {  	_ =	shalt  }
0x6c: {  	_ =	shalt  }
0x6d: {  	_ =	shalt  }
0x6e: {  	_ =	shalt  }
0x6f: {  	_ =	shalt  }
0x70: {  	_ =	shalt  }
0x71: {  	_ =	shalt  }
0x72: {  	_ =	shalt  }
0x73: {  	_ =	shalt  }
0x74: {  	_ =	shalt  }
0x75: {  	_ =	shalt  }
0x76: {  	_ =	shalt  }
0x77: {  	_ =	shalt  }
0x78: {  	_ =	shalt  }
0x79: {  	_ =	shalt  }
0x7a: {  	_ =	shalt  }
0x7b: {  	_ =	shalt  }
0x7c: {  	_ =	shalt  }
0x7d: {  	_ =	shalt  }
0x7e: {  	_ =	shalt  }
0x7f: {  	_ =	shalt  }
0x80: {  	_ =	shalt  }
0x81: {  	_ =	shalt  }
0x82: {  	_ =	shalt  }
0x83: {  	_ =	shalt  }
0x84: {  	_ =	shalt  }
0x85: {  	_ =	shalt  }
0x86: {  	_ =	shalt  }
0x87: {  	_ =	shalt  }
.Lfunc_end0:
.L_simem_size_0:
called_computation.1_lowered:
.L_overlay_start_0:
0x88: {  	s2 =	sld [smem:$0x3FD9]  }
0x89: {  	s3 =	sld [smem:$0x3FFE];
	_ =	sdelay $0x1  }
0x8a: {  	s1 =	srdreg.scid  }
0x8b: {  	s0 =	sand.u32 $0x1, s1  }
0x8c: {  	s16 =	sshll.u32 s0, $0xA;
	s2 =	sadd.s32 s3, s2  }
0x8d: {  	s2 =	sadd.s32 s2, s16  }
0x8e: {  	[smem:$0x3FBF] =	sst s2  }
0x8f: {  	_ = 	snop  }
0x90: {  	(tm) =	ssettm $0x1  }
0x91: {  	s17 =	sld [smem:$0x3FFB];
	_ =	sdelay $0x3  }
0x92: {  	_ =	strace s17  }
0x93: {  	s2 =	sld [smem:$0x3FFC];
	_ =	sdelay $0x3  }
0x94: {  	_ =	strace s2  }
0x95: {  	s2 =	sld [smem:$0x3FFD];
	_ =	sdelay $0x3  }
0x96: {  	_ =	strace s2  }
0x97: {  	_ =	strace $0x8FFFFFFF  }
0x98: {  	s18 =	sld [smem:$0x3FDB];
	_ =	sdelay $0x1  }
0x99: {  	s19 =	simm.s32 $_scs_section_size  }
0x9a: {  	s4 =	simm.s32 $_size__tile_overlayer_lowered;
	s5 =	simm.s32 $_tile_overlayer_lowered  }
0x9b: {  	s22 =	simm.s32 $0x1BFF;
	s21 =	sshll.u32 s5, $0x1;
	s2 =	sadd.s32 s19, s18  }
0x9c: {  	s6 =	simm.s32 $0x0;
	s20 =	sshll.u32 s4, $0x1;
	s4 =	sadd.s32 s21, s2  }
0x9d: {  	[timem:s6], [sflag:s22] =	dma.local [hbm:s4], s20  }
0x9e: {  	_ =	swait.ge [sflag:s22], s20  }
0x9f: {  	s3 =	ssub.s32 $0x0, s20;
	[sflag:s22] =	ssyncset.done $0x0  }
0xa0: {  	[sflag:s22] =	ssyncadd.s32 s3;
	_ =	sdelay $0x1  }
0xa1: {  	s23 =	simm.s32 $0x1B8B  }
0xa2: {  	_ =	swait.ge [sflag:s23], $0x1  }
0xa3: {  	[sflag:s23] =	ssyncset.done $0x0  }
0xa4: {  	s25 =	simm.s32 $0x1B8E;
	s24 =	sld [smem:$0x3FFE];
	[sflag:s23] =	ssyncadd.s32 $0xFFFFFFFF  }
0xa5: {  	s26 =	simm.s32 $execute0_lowered;
	[smem:$0x3FD2] =	sst s25  }
0xa6: {  	s4 =	sshll.u32 s26, $0x1;
	_ =	strace $0x80000049;
	[dreg:$0x1] =	wrdreg $0xFFFFFFFF  }
0xa7: {  	s28 =	simm.s32 $_size_execute0_lowered;
	s2 =	sadd.s32 s2, s4;
	[dreg:$0x0] =	wrdreg $0x0  }
0xa8: {  	s4 =	sshll.u32 s28, $0x1;
	[dreg:$0x2] =	wrdreg s2  }
0xa9: {  	[dreg:$0x3] =	wrdreg s4  }
0xaa: {  	[dreg:$0x4] =	wrdreg $0xC0  }
0xab: {  	_ =	task [dreg:s6], $0x5FFFF  }
0xac: {  	[dreg:$0x1] =	wrdreg $0xFFFFFFFF  }
0xad: {  	[dreg:$0x0] =	wrdreg $0x60  }
0xae: {  	[dreg:$0x2] =	wrdreg s24  }
0xaf: {  	[dreg:$0x3] =	wrdreg $0x82000  }
0xb0: {  	[dreg:$0x4] =	wrdreg $0x9  }
0xb1: {  	_ =	task.clear_ibuf [dreg:s6], $0x5FFFF;
	_ =	strace $0x90000049  }
0xb2: {  	s29 =	simm.s32 $0x9;
	_ =	strace $0x8000004B  }
0xb3: {  	_ =	swait.ge [sflag:s29], $0x1  }
0xb4: {  	[sflag:s29] =	ssyncadd.s32 $0xFFFFFFFF  }
0xb5: {  	_ =	strace $0x9000004B  }
0xb6: {  	_ =	sfence  }
0xb7: {  	s30 =	sld [smem:$0x0];
	_ =	sdelay $0x2  }
0xb8: {  	s31 =	sshll.u32 s1, $0xD;
	s1 =	sshrl.u32 s1, $0x2  }
0xb9: {  	s3 =	sand.u32 $0x4000, s31;
	s1 =	sadd.s32 s1, s30  }
0xba: {  	s0 =	sor.u32 s3, s0;
	s1 =	sshll.u32 s1, $0x11  }
0xbb: {  	s0 =	sor.u32 s1, s0  }
0xbc: {  	s0 =	sadd.s32 $0x8F2B, s0  }
0xbd: {  	[sflag:s0] =	ssyncadd.remote.s32 $0x1  }
0xbe: {  	_ =	sfence.sel $0xFFFF  }
0xbf: {  	[dreg:$0x0] =	wrdreg $0xFFFFFFFF;
	(pc) =	sbr.abs _section_cstart, $3  }
0xc0: {  	[dreg:$0x1] =	wrdreg $0xFFFFFFFF  }
0xc1: {  	_ =	task.clear_ibuf [dreg:s6], $0x2FFFF;
	_ =	strace $0x9FFFFFFF  }
0xc2: {  	(tm) =	ssettm $0x7FFFFFFF  }
0xc3: {  	_ =	shalt  }
tec
execute0_lowered:
.L_overlay_start_1:
0x0: {  	(tag) =	ssettag $0x1  }
0x1: {  	s6 =	rddreg [dreg:$0x0]  }
0x2: {  	s2 =	rddreg [dreg:$0x1]  }
0x3: {  	s0 =	rddreg [dreg:$0x2];
	s3 =	simm.s32 $0x0;
	s4 =	srdreg.scid  }
0x4: {  	s1 =	stileid.u32;
	s19 =	simm.s32 $0x100;
	s20 =	simm.s32 $0x180  }
0x5: {  	s21 =	simm.s32 $0x4200;
	s22 =	simm.s32 $0x1;
	s23 =	simm.s32 $0x2  }
0x6: {  	[smem:$0x7FF] =	sst s3;
	s11 =	sand.u32 $0x1, s4;
	s7 =	smul.u32 $0x2800, s1  }
0x7: {  	s4 =	sadd.s32 $0x1A400, s6;
	s12 =	sadd.s32 $0xDC00, s6;
	s10 =	smul.u32 $0x50000, s1  }
0x8: {  	s13 =	sadd.s32 $0x3C00, s6;
	s5 =	sadd.s32 $0x17C00, s6;
	s30 =	smul.u32 $0xA00, s1  }
0x9: {  	s24 =	sshll.u32 s1, $0x1;
	s28 =	sshll.u32 s1, $0x6;
	s8 =	smul.u32 $0x28000, s11  }
0xa: {  	_ =	strace $0x8000004A;
	s9 =	ssub.s32 $0x2, s11;
	s18 =	smul.u32 $0x500, s11  }
0xb: {  	s25 =	sshrl.u32 s9, $0x1;
	s26 =	sshrl.u32 s10, $0x2;
	s31 =	sadd.s32 s30, s12  }
0xc: {  	s7 =	sadd.s32 s7, s8;
	s8 =	sor.u32 s11, s24;
	s16 =	ssub.s32 s9, s25  }
0xd: {  	s17 =	sadd.s32 s26, s2;
	s24 =	simm.s32 $0x3;
	s15 =	smul.u32 $0x500, s8  }
0xe: {  	s25 =	simm.s32 $0x4;
	s26 =	simm.s32 $0x0;
	s14 =	sadd.s32 s7, s6  }
0xf: {  	s6 =	sor.u32 $0x1C05, s28;
	s11 =	sadd.s32 $0x68800, s14;
	s7 =	sadd.s32 s12, s15  }
0x10: {  	s8 =	sadd.s32 s13, s15;
	s29 =	sor.u32 $0x10, s15;
	s15 =	sadd.s32 s30, s13  }
0x11: {  	s9 =	sadd.s32 s12, s29;
	s10 =	sadd.s32 s13, s29;
	s12 =	smax.u32 s16, $0x1  }
0x12: {  	s13 =	sadd.s32 s18, s31;
	s14 =	sadd.s32 s18, s15;
	s15 =	sshrl.u32 s17, $0x3  }
0x13: {  	s16 =	simm.s32 $0x5;
	s17 =	simm.s32 $0x80;
	s18 =	simm.s32 $0x200  }
.LBB2_1:
0x14: {  	[spmem:s15], [sflag:s6] =	dma.local [hbm:s5], $0x2800  }
0x15: {  	_ =	swait.ge [sflag:s16], $0x2800  }
0x16: {  	[sflag:s16] =	ssyncset.done $0x0  }
0x17: {  	[sflag:s16] =	ssyncadd.s32 $0xFFFFD800  }
0x18: {  	[bflag:$0x0] =	sbarrier.arrive $0xFFFF  }
0x19: {  	[tilespmem:s3], [sflag:$0x5] =	stream.linear.gather [hbm4b:s7+s3], $0x80, $0x38;
	[tilespmem:$0x1C200] =	vst v63  }
0x1a: {  	_ =	swait.ge [sflag:s16], $0x80  }
0x1b: {  	[sflag:s16] =	ssyncset.done $0x0  }
0x1c: {  	[sflag:s16] =	ssyncadd.s32 $0xFFFFFF80  }
0x1d: {  	[tilespmem:s17], [sflag:$0x5] =	stream.linear.gather [hbm4b:s8+s3], $0x80, $0x38;
	[tilespmem:$0x1C200] =	vst v63  }
0x1e: {  	_ =	swait.ge [sflag:s16], $0x80  }
0x1f: {  	[sflag:s16] =	ssyncset.done $0x0  }
0x20: {  	[sflag:s16] =	ssyncadd.s32 $0xFFFFFF80  }
0x21: {  	[tilespmem:s18], [sflag:$0x1] =	stream.indirect.gather [hbm4b:s4+s17], $0x80, s3, s17, $0xb8;
	[tilespmem:$0x1C200] =	vst v63  }
0x22: {  	_ = 	snop  }
0x23: {  	[tilespmem:s19], [sflag:$0x5] =	stream.linear.gather [hbm4b:s9+s3], $0x80, $0x38;
	[tilespmem:$0x1C200] =	vst v63  }
0x24: {  	_ =	swait.ge [sflag:s16], $0x80  }
0x25: {  	[sflag:s16] =	ssyncset.done $0x0  }
0x26: {  	[sflag:s16] =	ssyncadd.s32 $0xFFFFFF80  }
0x27: {  	[tilespmem:s20], [sflag:$0x5] =	stream.linear.gather [hbm4b:s10+s3], $0x80, $0x38;
	[tilespmem:$0x1C200] =	vst v63  }
0x28: {  	_ =	swait.ge [sflag:s16], $0x80  }
0x29: {  	[sflag:s16] =	ssyncset.done $0x0  }
0x2a: {  	[sflag:s16] =	ssyncadd.s32 $0xFFFFFF80  }
0x2b: {  	[tilespmem:s21], [sflag:$0x2] =	stream.indirect.gather [hbm4b:s4+s17], $0x80, s19, s17, $0xb8;
	[tilespmem:$0x1C200] =	vst v63  }
0x2c: {  	_ =	swait.ge [sflag:s22], $0x4000  }
0x2d: {  	[sflag:s22] =	ssyncset.done $0x0  }
0x2e: {  	[sflag:s22] =	ssyncadd.s32 $0xFFFFC000  }
0x2f: {  	[spmem:s2] =	stream.indirect.scatter.add.f32 [tilespmem:s18], [sflag:$0x3], $0x80, s17, s17, $0xb8;
	[tilespmem:$0x1C200] =	vst v63  }
0x30: {  	_ =	swait.ge [sflag:s23], $0x4000  }
0x31: {  	[sflag:s23] =	ssyncset.done $0x0  }
0x32: {  	[sflag:s23] =	ssyncadd.s32 $0xFFFFC000  }
0x33: {  	[spmem:s2] =	stream.indirect.scatter.add.f32 [tilespmem:s21], [sflag:$0x4], $0x80, s20, s17, $0xb8;
	[tilespmem:$0x1C200] =	vst v63  }
0x34: {  	_ =	swait.ge [sflag:s24], $0x4000  }
0x35: {  	s28 =	sadd.s32 $0x0, s13;
	[sflag:s24] =	ssyncset.done $0x0  }
0x36: {  	s29 =	sadd.s32 $0x20, s28;
	[sflag:s24] =	ssyncadd.s32 $0xFFFFC000  }
0x37: {  	[tilespmem:s3], [sflag:$0x5] =	stream.linear.gather [hbm4b:s29+s3], $0x80, $0x38;
	[tilespmem:$0x1C200] =	vst v63  }
0x38: {  	_ =	swait.ge [sflag:s16], $0x80  }
0x39: {  	s31 =	sadd.s32 $0x0, s14;
	[sflag:s16] =	ssyncset.done $0x0  }
0x3a: {  	s30 =	sadd.s32 $0x20, s31;
	[sflag:s16] =	ssyncadd.s32 $0xFFFFFF80  }
0x3b: {  	[tilespmem:s17], [sflag:$0x5] =	stream.linear.gather [hbm4b:s30+s3], $0x80, $0x38;
	[tilespmem:$0x1C200] =	vst v63  }
0x3c: {  	_ =	swait.ge [sflag:s16], $0x80  }
0x3d: {  	[sflag:s16] =	ssyncset.done $0x0  }
0x3e: {  	[sflag:s16] =	ssyncadd.s32 $0xFFFFFF80  }
0x3f: {  	[tilespmem:s18], [sflag:$0x1] =	stream.indirect.gather [hbm4b:s4+s17], $0x80, s3, s17, $0xb8;
	[tilespmem:$0x1C200] =	vst v63  }
0x40: {  	_ =	swait.ge [sflag:s25], $0x4000  }
0x41: {  	[sflag:s25] =	ssyncset.done $0x0  }
0x42: {  	s28 =	sadd.s32 $0x30, s28;
	[sflag:s25] =	ssyncadd.s32 $0xFFFFC000  }
0x43: {  	[tilespmem:s19], [sflag:$0x5] =	stream.linear.gather [hbm4b:s28+s3], $0x80, $0x38;
	[tilespmem:$0x1C200] =	vst v63  }
0x44: {  	_ =	swait.ge [sflag:s16], $0x80  }
0x45: {  	[sflag:s16] =	ssyncset.done $0x0  }
0x46: {  	s28 =	sadd.s32 $0x30, s31;
	[sflag:s16] =	ssyncadd.s32 $0xFFFFFF80  }
0x47: {  	[tilespmem:s20], [sflag:$0x5] =	stream.linear.gather [hbm4b:s28+s3], $0x80, $0x38;
	[tilespmem:$0x1C200] =	vst v63  }
0x48: {  	_ =	swait.ge [sflag:s16], $0x80  }
0x49: {  	[sflag:s16] =	ssyncset.done $0x0  }
0x4a: {  	s28 =	simm.s32 $0x20;
	[sflag:s16] =	ssyncadd.s32 $0xFFFFFF80  }
.LBB2_2:
0x4b: {  	[tilespmem:s21], [sflag:$0x2] =	stream.indirect.gather [hbm4b:s4+s17], $0x80, s19, s17, $0xb8;
	[tilespmem:$0x1C200] =	vst v63  }
0x4c: {  	s29 =	smov.u32 s28  }
0x4d: {  	p0 =	sne.s32 s28, $0x4C0;
	s28 =	sadd.s32 $0x20, s28;
	_ =	swait.ge [sflag:s22], $0x4000  }
0x4e: {  	[sflag:s22] =	ssyncset.done $0x0  }
0x4f: {  	[sflag:s22] =	ssyncadd.s32 $0xFFFFC000  }
0x50: {  	[spmem:s2] =	stream.indirect.scatter.add.f32 [tilespmem:s18], [sflag:$0x3], $0x80, s17, s17, $0xb8;
	[tilespmem:$0x1C200] =	vst v63  }
0x51: {  	_ =	swait.ge [sflag:s23], $0x4000  }
0x52: {  	[sflag:s23] =	ssyncset.done $0x0  }
0x53: {  	[sflag:s23] =	ssyncadd.s32 $0xFFFFC000  }
0x54: {  	[spmem:s2] =	stream.indirect.scatter.add.f32 [tilespmem:s21], [sflag:$0x4], $0x80, s20, s17, $0xb8;
	[tilespmem:$0x1C200] =	vst v63  }
0x55: {  	_ =	swait.ge [sflag:s24], $0x4000  }
0x56: {  	s30 =	sadd.s32 s29, s13;
	[sflag:s24] =	ssyncset.done $0x0  }
0x57: {  	s31 =	sadd.s32 $0x20, s30;
	[sflag:s24] =	ssyncadd.s32 $0xFFFFC000  }
0x58: {  	[tilespmem:s3], [sflag:$0x5] =	stream.linear.gather [hbm4b:s31+s3], $0x80, $0x38;
	[tilespmem:$0x1C200] =	vst v63  }
0x59: {  	_ =	swait.ge [sflag:s16], $0x80  }
0x5a: {  	s29 =	sadd.s32 s29, s14;
	[sflag:s16] =	ssyncset.done $0x0  }
0x5b: {  	s31 =	sadd.s32 $0x20, s29;
	[sflag:s16] =	ssyncadd.s32 $0xFFFFFF80  }
0x5c: {  	[tilespmem:s17], [sflag:$0x5] =	stream.linear.gather [hbm4b:s31+s3], $0x80, $0x38;
	[tilespmem:$0x1C200] =	vst v63  }
0x5d: {  	_ =	swait.ge [sflag:s16], $0x80  }
0x5e: {  	[sflag:s16] =	ssyncset.done $0x0  }
0x5f: {  	[sflag:s16] =	ssyncadd.s32 $0xFFFFFF80  }
0x60: {  	[tilespmem:s18], [sflag:$0x1] =	stream.indirect.gather [hbm4b:s4+s17], $0x80, s3, s17, $0xb8;
	[tilespmem:$0x1C200] =	vst v63  }
0x61: {  	_ =	swait.ge [sflag:s25], $0x4000  }
0x62: {  	[sflag:s25] =	ssyncset.done $0x0  }
0x63: {  	s30 =	sadd.s32 $0x30, s30;
	[sflag:s25] =	ssyncadd.s32 $0xFFFFC000  }
0x64: {  	[tilespmem:s19], [sflag:$0x5] =	stream.linear.gather [hbm4b:s30+s3], $0x80, $0x38;
	[tilespmem:$0x1C200] =	vst v63  }
0x65: {  	_ =	swait.ge [sflag:s16], $0x80  }
0x66: {  	[sflag:s16] =	ssyncset.done $0x0  }
.Ltmp0:
0x67: {  	s29 =	sadd.s32 $0x30, s29;
	[sflag:s16] =	ssyncadd.s32 $0xFFFFFF80;
	(pc) =	sbr.rel @p0 .LBB2_2-.Ltmp0, $4  }
0x68: {  	[tilespmem:s20], [sflag:$0x5] =	stream.linear.gather [hbm4b:s29+s3], $0x80, $0x38;
	[tilespmem:$0x1C200] =	vst v63  }
0x69: {  	_ =	swait.ge [sflag:s16], $0x80  }
0x6a: {  	[sflag:s16] =	ssyncset.done $0x0  }
0x6b: {  	[sflag:s16] =	ssyncadd.s32 $0xFFFFFF80  }
0x6c: {  	[tilespmem:s21], [sflag:$0x2] =	stream.indirect.gather [hbm4b:s4+s17], $0x80, s19, s17, $0xb8;
	[tilespmem:$0x1C200] =	vst v63  }
0x6d: {  	_ =	swait.ge [sflag:s22], $0x4000  }
0x6e: {  	[sflag:s22] =	ssyncset.done $0x0  }
0x6f: {  	[sflag:s22] =	ssyncadd.s32 $0xFFFFC000  }
0x70: {  	[spmem:s2] =	stream.indirect.scatter.add.f32 [tilespmem:s18], [sflag:$0x5], $0x80, s17, s17, $0xb8;
	[tilespmem:$0x1C200] =	vst v63  }
0x71: {  	_ =	swait.ge [sflag:s16], $0x4000  }
0x72: {  	[sflag:s16] =	ssyncset.done $0x0  }
0x73: {  	[sflag:s16] =	ssyncadd.s32 $0xFFFFC000  }
0x74: {  	_ =	swait.ge [sflag:s23], $0x4000  }
0x75: {  	[sflag:s23] =	ssyncset.done $0x0  }
0x76: {  	[sflag:s23] =	ssyncadd.s32 $0xFFFFC000  }
0x77: {  	[spmem:s2] =	stream.indirect.scatter.add.f32 [tilespmem:s21], [sflag:$0x5], $0x80, s20, s17, $0xb8;
	[tilespmem:$0x1C200] =	vst v63  }
0x78: {  	_ =	swait.ge [sflag:s16], $0x4000  }
0x79: {  	s26 =	sadd.s32 $0x1, s26;
	[sflag:s16] =	ssyncset.done $0x0  }
0x7a: {  	p0 =	sne.s32 s26, s12;
	[sflag:s16] =	ssyncadd.s32 $0xFFFFC000  }
.Ltmp1:
0x7b: {  	[bflag:$0x0] =	sbarrier.arrive $0xFFFF;
	(pc) =	sbr.rel @p0 .LBB2_1-.Ltmp1, $4  }
0x7c: {  	[hbm:s11], [sflag:s6] =	dma.local [spmem:s15], $0x2800  }
0x7d: {  	_ =	swait.ge [sflag:s16], $0x2800  }
0x7e: {  	[sflag:s16] =	ssyncset.done $0x0  }
0x7f: {  	[sflag:s16] =	ssyncadd.s32 $0xFFFFD800  }
0x80: {  	_ =	sfence.sel $0x180000  }
0x81: {  	[bflag:$0x0] =	sbarrier.arrive $0xFFFF  }
0x82: {  	p0 =	sne.s32 s1, $0x0;
	_ =	strace $0x9000004A  }
0x83: {  	s0 =	sadd.s32 @!p0 $0x100000, s0;
	[bflag:$0x2] =	sbarrier.arrive $0xFFFF  }
0x84: {  	[sflag:s0] =	ssyncadd.tile.s32 @!p0 $0x1;
	_ =	shalt  }
.Lfunc_end2:
_tile_overlayer_lowered:
.L_overlay_start_2:
0x85: {  	(tag) =	ssettag $0x2  }
0x86: {  	s0 =	rddreg [dreg:$0x0];
	s2 =	stileid.u32  }
0x87: {  	s1 =	rddreg [dreg:$0x1];
	p0 =	sne.s32 s2, $0x0  }
0x88: {  	s3 =	rddreg [dreg:$0x2];
	[bflag:$0x3] =	sbarrier.arrive $0xFFFF;
	s2 =	simm.s32 @!p0 $0x1C05  }
0x89: {  	[timem:s3], [sflag:s2] =	dma.local @!p0 [hbm:s0], s1  }
0x8a: {  	s0 =	simm.s32 @!p0 $0x5  }
0x8b: {  	_ =	swait.ge @!p0 [sflag:s0], s1  }
0x8c: {  	s1 =	ssub.s32 @!p0 $0x0, s1;
	[sflag:s0] =	ssyncset.done @!p0 $0x0  }
0x8d: {  	[sflag:s0] =	ssyncadd.s32 @!p0 s1  }
0x8e: {  	[bflag:$0x3] =	sbarrier.arrive $0xFFFF  }
0x8f: {  	_ =	shalt  }

// kernel: kernel.14.cloned.1.call-start
scs
__scs_entry_jumppad:
0x0: {  	(pc) =	sbr.rel $0x88, $3  }
0x1: {  	(tag) =	ssettag $0x0;
	lr =	simm.s32 $0x1  }
0x2: {  	[smem:$0x3F98] =	sst lr;
	_ =	strace $0xD0000000  }
0x3: {  	_ = 	snop  }
0x4: {  	_ = 	snop  }
0x5: {  	_ = 	snop  }
0x6: {  	_ = 	snop  }
0x7: {  	_ = 	snop  }
__scs_overlays_trampoline_lowered:
0x8: {  	[smem:$0x3FA7] =	sst s0  }
0x9: {  	[smem:$0x3FA8] =	sst s1  }
0xa: {  	[smem:$0x3FA9] =	sst s2  }
0xb: {  	[smem:$0x3FAA] =	sst s3  }
0xc: {  	[smem:$0x3FAB] =	sst s4  }
0xd: {  	[smem:$0x3FAC] =	sst s5  }
0xe: {  	[smem:$0x3FAD] =	sst s6  }
0xf: {  	[smem:$0x3FAE] =	sst s7  }
0x10: {  	[smem:$0x3FAF] =	sst s8  }
0x11: {  	[smem:$0x3FB0] =	sst s9;
	s0 =	simm.s32 @!p0 $0x0  }
0x12: {  	s1 =	sld [smem:$0x3F96];
	s0 =	simm.s32 @p0 $0x1  }
0x13: {  	[smem:$0x3FB1] =	sst s0;
	s0 =	simm.s32 @!p1 $0x0  }
0x14: {  	s2 =	sld [smem:$0x3F95];
	s0 =	simm.s32 @p1 $0x1  }
0x15: {  	[smem:$0x3FB2] =	sst s0;
	s0 =	simm.s32 @!p2 $0x0  }
0x16: {  	s3 =	sld [smem:$0x3FDB];
	s0 =	simm.s32 @p2 $0x1  }
0x17: {  	s4 =	simm.s32 $0x1BF5;
	[smem:$0x3FB4] =	sst s0  }
0x18: {  	s0 =	sld [smem:$0x3F97];
	_ =	swait.ge [sflag:s4], $0x0  }
0x19: {  	s7 =	sld [smem:$0x3F98]  }
0x1a: {  	s8 =	sadd.s32 $0xFFFFE003, lr  }
0x1b: {  	s9 =	sadd.s32 $0xFFFFFEF7, lr;
	s5 =	simm.s32 $0xFFFFFFFF;
	p2 =	slt.u32 s8, $0xFFFFF086  }
0x1c: {  	p1 =	slt.u32 s9, $0xF7A;
	s5 =	simm.s32 @!p2 $0x0  }
0x1d: {  	s5 =	simm.s32 @p1 $0x1;
	p0 =	seq.s32 s7, s2  }
0x1e: {  	s7 =	smul.u32 @!p0 $0xF7A, s2;
	p2 =	seq.s32 @!p0 s5, $0x0  }
0x1f: {  	s9 =	smul.u32 $0xF7A, s1;
	s8 =	simm.s32 @!p0 $0x1BF5;
	p2 =	por !p2, p0  }
0x20: {  	[sflag:s8] =	ssyncset.s32 @!p0 $0xFFFFF086;
	s6 =	sadd.s32 @!p0 s3, s7;
	s7 =	simm.s32 @!p0 $0x108  }
0x21: {  	s3 =	sadd.s32 s3, s9;
	s6 =	sadd.s32 @!p0 $0x88, s6;
	s7 =	simm.s32 @p2 $0x1082  }
0x22: {  	[simem:s7], [sflag:s8] =	dma.local @!p0 [hbm:s6], $0xF7A  }
0x23: {  	s9 =	sor.u32 $0xD0000000, s2;
	s6 =	simm.s32 $0x108;
	_ =	swait.ge @!p0 [sflag:s8], $0x0  }
0x24: {  	s3 =	sadd.s32 $0x88, s3;
	s6 =	simm.s32 @!p1 $0x1082;
	[sflag:s4] =	ssyncset.s32 $0xFFFFF086  }
0x25: {  	[simem:s6], [sflag:s4] =	dma.local [hbm:s3], $0xF7A  }
0x26: {  	[smem:$0x3F98] =	sst s1;
	(tag) =	ssettag s2;
	_ =	strace s9  }
0x27: {  	s1 =	sld [smem:$0x3FA8]  }
0x28: {  	s2 =	sld [smem:$0x3FA9]  }
0x29: {  	s4 =	sld [smem:$0x3FAB]  }
0x2a: {  	p0 =	seq.s32 s5, $0x0;
	s5 =	sld [smem:$0x3FAC]  }
0x2b: {  	s6 =	sld [smem:$0x3FAD]  }
0x2c: {  	s7 =	sld [smem:$0x3FAE]  }
0x2d: {  	s3 =	simm.s32 $0x108;
	s8 =	sld [smem:$0x3FAF]  }
0x2e: {  	s3 =	simm.s32 @!p0 $0x1082;
	s9 =	sld [smem:$0x3FB0]  }
0x2f: {  	lr =	sadd.s32 s0, s3;
	s0 =	sld [smem:$0x3FA7]  }
0x30: {  	s3 =	sld [smem:$0x3FAA]  }
0x31: {  	[smem:$0x3FB3] =	sst s10  }
0x32: {  	s10 =	sld [smem:$0x3FB1];
	_ =	sdelay $0x3  }
0x33: {  	p0 =	seq.s32 s10, $0x1;
	s10 =	sld [smem:$0x3FB3];
	_ =	sdelay $0x3  }
0x34: {  	[smem:$0x3FB3] =	sst s10  }
0x35: {  	s10 =	sld [smem:$0x3FB2];
	_ =	sdelay $0x3  }
0x36: {  	p1 =	seq.s32 s10, $0x1;
	s10 =	sld [smem:$0x3FB3];
	_ =	sdelay $0x3  }
0x37: {  	[smem:$0x3FB3] =	sst s10  }
0x38: {  	s10 =	sld [smem:$0x3FB4]  }
0x39: {  	_ = 	snop;
	(pc) =	sbr.ind lr, $3  }
0x3a: {  	_ = 	snop  }
0x3b: {  	_ = 	snop  }
0x3c: {  	p2 =	seq.s32 s10, $0x1;
	s10 =	sld [smem:$0x3FB3]  }
0x3d: {  	_ =	shalt  }
0x3e: {  	_ =	shalt  }
0x3f: {  	_ =	shalt  }
0x40: {  	_ =	shalt  }
0x41: {  	_ =	shalt  }
0x42: {  	_ =	shalt  }
0x43: {  	_ =	shalt  }
0x44: {  	_ =	shalt  }
0x45: {  	_ =	shalt  }
0x46: {  	_ =	shalt  }
0x47: {  	_ =	shalt  }
0x48: {  	_ =	shalt  }
0x49: {  	_ =	shalt  }
0x4a: {  	_ =	shalt  }
0x4b: {  	_ =	shalt  }
0x4c: {  	_ =	shalt  }
0x4d: {  	_ =	shalt  }
0x4e: {  	_ =	shalt  }
0x4f: {  	_ =	shalt  }
0x50: {  	_ =	shalt  }
0x51: {  	_ =	shalt  }
0x52: {  	_ =	shalt  }
0x53: {  	_ =	shalt  }
0x54: {  	_ =	shalt  }
0x55: {  	_ =	shalt  }
0x56: {  	_ =	shalt  }
0x57: {  	_ =	shalt  }
0x58: {  	_ =	shalt  }
0x59: {  	_ =	shalt  }
0x5a: {  	_ =	shalt  }
0x5b: {  	_ =	shalt  }
0x5c: {  	_ =	shalt  }
0x5d: {  	_ =	shalt  }
0x5e: {  	_ =	shalt  }
0x5f: {  	_ =	shalt  }
0x60: {  	_ =	shalt  }
0x61: {  	_ =	shalt  }
0x62: {  	_ =	shalt  }
0x63: {  	_ =	shalt  }
0x64: {  	_ =	shalt  }
0x65: {  	_ =	shalt  }
0x66: {  	_ =	shalt  }
0x67: {  	_ =	shalt  }
0x68: {  	_ =	shalt  }
0x69: {  	_ =	shalt  }
0x6a: {  	_ =	shalt  }
0x6b: {  	_ =	shalt  }
0x6c: {  	_ =	shalt  }
0x6d: {  	_ =	shalt  }
0x6e: {  	_ =	shalt  }
0x6f: {  	_ =	shalt  }
0x70: {  	_ =	shalt  }
0x71: {  	_ =	shalt  }
0x72: {  	_ =	shalt  }
0x73: {  	_ =	shalt  }
0x74: {  	_ =	shalt  }
0x75: {  	_ =	shalt  }
0x76: {  	_ =	shalt  }
0x77: {  	_ =	shalt  }
0x78: {  	_ =	shalt  }
0x79: {  	_ =	shalt  }
0x7a: {  	_ =	shalt  }
0x7b: {  	_ =	shalt  }
0x7c: {  	_ =	shalt  }
0x7d: {  	_ =	shalt  }
0x7e: {  	_ =	shalt  }
0x7f: {  	_ =	shalt  }
0x80: {  	_ =	shalt  }
0x81: {  	_ =	shalt  }
0x82: {  	_ =	shalt  }
0x83: {  	_ =	shalt  }
0x84: {  	_ =	shalt  }
0x85: {  	_ =	shalt  }
0x86: {  	_ =	shalt  }
0x87: {  	_ =	shalt  }
.Lfunc_end0:
.L_simem_size_0:
called_computation.2_lowered:
.L_overlay_start_0:
0x88: {  	s2 =	sld [smem:$0x3FD9]  }
0x89: {  	s3 =	sld [smem:$0x3FFE];
	_ =	sdelay $0x1  }
0x8a: {  	s1 =	srdreg.scid  }
0x8b: {  	s0 =	sand.u32 $0x1, s1  }
0x8c: {  	s16 =	sshll.u32 s0, $0xA;
	s2 =	sadd.s32 s3, s2  }
0x8d: {  	s2 =	sadd.s32 s2, s16  }
0x8e: {  	[smem:$0x3FBF] =	sst s2  }
0x8f: {  	_ = 	snop  }
0x90: {  	(tm) =	ssettm $0x1  }
0x91: {  	s17 =	sld [smem:$0x3FFB];
	_ =	sdelay $0x3  }
0x92: {  	_ =	strace s17  }
0x93: {  	s2 =	sld [smem:$0x3FFC];
	_ =	sdelay $0x3  }
0x94: {  	_ =	strace s2  }
0x95: {  	s2 =	sld [smem:$0x3FFD];
	_ =	sdelay $0x3  }
0x96: {  	_ =	strace s2  }
0x97: {  	_ =	strace $0x8FFFFFFF  }
0x98: {  	s18 =	sld [smem:$0x3FDB];
	_ =	sdelay $0x1  }
0x99: {  	s19 =	simm.s32 $_scs_section_size  }
0x9a: {  	s4 =	simm.s32 $_size__tile_overlayer_lowered;
	s5 =	simm.s32 $_tile_overlayer_lowered  }
0x9b: {  	s22 =	simm.s32 $0x1BFF;
	s21 =	sshll.u32 s5, $0x1;
	s2 =	sadd.s32 s19, s18  }
0x9c: {  	s6 =	simm.s32 $0x0;
	s20 =	sshll.u32 s4, $0x1;
	s4 =	sadd.s32 s21, s2  }
0x9d: {  	[timem:s6], [sflag:s22] =	dma.local [hbm:s4], s20  }
0x9e: {  	_ =	swait.ge [sflag:s22], s20  }
0x9f: {  	s3 =	ssub.s32 $0x0, s20;
	[sflag:s22] =	ssyncset.done $0x0  }
0xa0: {  	[sflag:s22] =	ssyncadd.s32 s3;
	_ =	sdelay $0x1  }
0xa1: {  	s23 =	simm.s32 $0x1B8B  }
0xa2: {  	_ =	swait.ge [sflag:s23], $0x1  }
0xa3: {  	[sflag:s23] =	ssyncset.done $0x0  }
0xa4: {  	s25 =	simm.s32 $0x1B8E;
	s24 =	sld [smem:$0x3FFE];
	[sflag:s23] =	ssyncadd.s32 $0xFFFFFFFF  }
0xa5: {  	s26 =	simm.s32 $execute0_lowered;
	[smem:$0x3FD2] =	sst s25  }
0xa6: {  	s4 =	sshll.u32 s26, $0x1;
	_ =	strace $0x8000004C;
	[dreg:$0x1] =	wrdreg $0xFFFFFFFF  }
0xa7: {  	s28 =	simm.s32 $_size_execute0_lowered;
	s2 =	sadd.s32 s2, s4;
	[dreg:$0x0] =	wrdreg $0x0  }
0xa8: {  	s4 =	sshll.u32 s28, $0x1;
	[dreg:$0x2] =	wrdreg s2  }
0xa9: {  	[dreg:$0x3] =	wrdreg s4  }
0xaa: {  	[dreg:$0x4] =	wrdreg $0xC0  }
0xab: {  	_ =	task [dreg:s6], $0x5FFFF  }
0xac: {  	[dreg:$0x1] =	wrdreg $0xFFFFFFFF  }
0xad: {  	[dreg:$0x0] =	wrdreg $0x60  }
0xae: {  	[dreg:$0x2] =	wrdreg s24  }
0xaf: {  	[dreg:$0x3] =	wrdreg $0x82000  }
0xb0: {  	[dreg:$0x4] =	wrdreg $0x9  }
0xb1: {  	_ =	task.clear_ibuf [dreg:s6], $0x5FFFF;
	_ =	strace $0x9000004C  }
0xb2: {  	s29 =	simm.s32 $0x9;
	_ =	strace $0x8000004E  }
0xb3: {  	_ =	swait.ge [sflag:s29], $0x1  }
0xb4: {  	[sflag:s29] =	ssyncadd.s32 $0xFFFFFFFF  }
0xb5: {  	_ =	strace $0x9000004E  }
0xb6: {  	_ =	sfence  }
0xb7: {  	s30 =	sld [smem:$0x0];
	_ =	sdelay $0x2  }
0xb8: {  	s31 =	sshll.u32 s1, $0xD;
	s1 =	sshrl.u32 s1, $0x2  }
0xb9: {  	s3 =	sand.u32 $0x4000, s31;
	s1 =	sadd.s32 s1, s30  }
0xba: {  	s0 =	sor.u32 s3, s0;
	s1 =	sshll.u32 s1, $0x11  }
0xbb: {  	s0 =	sor.u32 s1, s0  }
0xbc: {  	s0 =	sadd.s32 $0x8F2B, s0  }
0xbd: {  	[sflag:s0] =	ssyncadd.remote.s32 $0x1  }
0xbe: {  	_ =	sfence.sel $0xFFFF  }
0xbf: {  	[dreg:$0x0] =	wrdreg $0xFFFFFFFF;
	(pc) =	sbr.abs _section_cstart, $3  }
0xc0: {  	[dreg:$0x1] =	wrdreg $0xFFFFFFFF  }
0xc1: {  	_ =	task.clear_ibuf [dreg:s6], $0x2FFFF;
	_ =	strace $0x9FFFFFFF  }
0xc2: {  	(tm) =	ssettm $0x7FFFFFFF  }
0xc3: {  	_ =	shalt  }
tec
execute0_lowered:
.L_overlay_start_1:
0x0: {  	(tag) =	ssettag $0x1  }
0x1: {  	s6 =	rddreg [dreg:$0x0]  }
0x2: {  	s2 =	rddreg [dreg:$0x1]  }
0x3: {  	s0 =	rddreg [dreg:$0x2];
	s3 =	simm.s32 $0x0;
	s4 =	srdreg.scid  }
0x4: {  	s1 =	stileid.u32;
	s19 =	simm.s32 $0x100;
	s20 =	simm.s32 $0x180  }
0x5: {  	s21 =	simm.s32 $0x4200;
	s22 =	simm.s32 $0x1;
	s23 =	simm.s32 $0x2  }
0x6: {  	[smem:$0x7FF] =	sst s3;
	s11 =	sand.u32 $0x1, s4;
	s7 =	smul.u32 $0x2800, s1  }
0x7: {  	s4 =	sadd.s32 $0x1A400, s6;
	s12 =	sadd.s32 $0xDC00, s6;
	s10 =	smul.u32 $0x50000, s1  }
0x8: {  	s13 =	sadd.s32 $0x3C00, s6;
	s5 =	sadd.s32 $0x17C00, s6;
	s30 =	smul.u32 $0xA00, s1  }
0x9: {  	s24 =	sshll.u32 s1, $0x1;
	s28 =	sshll.u32 s1, $0x6;
	s8 =	smul.u32 $0x28000, s11  }
0xa: {  	_ =	strace $0x8000004D;
	s9 =	ssub.s32 $0x2, s11;
	s18 =	smul.u32 $0x500, s11  }
0xb: {  	s25 =	sshrl.u32 s9, $0x1;
	s26 =	sshrl.u32 s10, $0x2;
	s31 =	sadd.s32 s30, s12  }
0xc: {  	s7 =	sadd.s32 s7, s8;
	s8 =	sor.u32 s11, s24;
	s16 =	ssub.s32 s9, s25  }
0xd: {  	s17 =	sadd.s32 s26, s2;
	s24 =	simm.s32 $0x3;
	s15 =	smul.u32 $0x500, s8  }
0xe: {  	s25 =	simm.s32 $0x4;
	s26 =	simm.s32 $0x0;
	s14 =	sadd.s32 s7, s6  }
0xf: {  	s6 =	sor.u32 $0x1C05, s28;
	s11 =	sadd.s32 $0x68800, s14;
	s7 =	sadd.s32 s12, s15  }
0x10: {  	s8 =	sadd.s32 s13, s15;
	s29 =	sor.u32 $0x10, s15;
	s15 =	sadd.s32 s30, s13  }
0x11: {  	s9 =	sadd.s32 s12, s29;
	s10 =	sadd.s32 s13, s29;
	s12 =	smax.u32 s16, $0x1  }
0x12: {  	s13 =	sadd.s32 s18, s31;
	s14 =	sadd.s32 s18, s15;
	s15 =	sshrl.u32 s17, $0x3  }
0x13: {  	s16 =	simm.s32 $0x5;
	s17 =	simm.s32 $0x80;
	s18 =	simm.s32 $0x200  }
.LBB2_1:
0x14: {  	[spmem:s15], [sflag:s6] =	dma.local [hbm:s5], $0x2800  }
0x15: {  	_ =	swait.ge [sflag:s16], $0x2800  }
0x16: {  	[sflag:s16] =	ssyncset.done $0x0  }
0x17: {  	[sflag:s16] =	ssyncadd.s32 $0xFFFFD800  }
0x18: {  	[bflag:$0x0] =	sbarrier.arrive $0xFFFF  }
0x19: {  	[tilespmem:s3], [sflag:$0x5] =	stream.linear.gather [hbm4b:s7+s3], $0x80, $0x38;
	[tilespmem:$0x1C200] =	vst v63  }
0x1a: {  	_ =	swait.ge [sflag:s16], $0x80  }
0x1b: {  	[sflag:s16] =	ssyncset.done $0x0  }
0x1c: {  	[sflag:s16] =	ssyncadd.s32 $0xFFFFFF80  }
0x1d: {  	[tilespmem:s17], [sflag:$0x5] =	stream.linear.gather [hbm4b:s8+s3], $0x80, $0x38;
	[tilespmem:$0x1C200] =	vst v63  }
0x1e: {  	_ =	swait.ge [sflag:s16], $0x80  }
0x1f: {  	[sflag:s16] =	ssyncset.done $0x0  }
0x20: {  	[sflag:s16] =	ssyncadd.s32 $0xFFFFFF80  }
0x21: {  	[tilespmem:s18], [sflag:$0x1] =	stream.indirect.gather [hbm4b:s4+s17], $0x80, s3, s17, $0xb8;
	[tilespmem:$0x1C200] =	vst v63  }
0x22: {  	_ = 	snop  }
0x23: {  	[tilespmem:s19], [sflag:$0x5] =	stream.linear.gather [hbm4b:s9+s3], $0x80, $0x38;
	[tilespmem:$0x1C200] =	vst v63  }
0x24: {  	_ =	swait.ge [sflag:s16], $0x80  }
0x25: {  	[sflag:s16] =	ssyncset.done $0x0  }
0x26: {  	[sflag:s16] =	ssyncadd.s32 $0xFFFFFF80  }
0x27: {  	[tilespmem:s20], [sflag:$0x5] =	stream.linear.gather [hbm4b:s10+s3], $0x80, $0x38;
	[tilespmem:$0x1C200] =	vst v63  }
0x28: {  	_ =	swait.ge [sflag:s16], $0x80  }
0x29: {  	[sflag:s16] =	ssyncset.done $0x0  }
0x2a: {  	[sflag:s16] =	ssyncadd.s32 $0xFFFFFF80  }
0x2b: {  	[tilespmem:s21], [sflag:$0x2] =	stream.indirect.gather [hbm4b:s4+s17], $0x80, s19, s17, $0xb8;
	[tilespmem:$0x1C200] =	vst v63  }
0x2c: {  	_ =	swait.ge [sflag:s22], $0x4000  }
0x2d: {  	[sflag:s22] =	ssyncset.done $0x0  }
0x2e: {  	[sflag:s22] =	ssyncadd.s32 $0xFFFFC000  }
0x2f: {  	[spmem:s2] =	stream.indirect.scatter.add.f32 [tilespmem:s18], [sflag:$0x3], $0x80, s17, s17, $0xb8;
	[tilespmem:$0x1C200] =	vst v63  }
0x30: {  	_ =	swait.ge [sflag:s23], $0x4000  }
0x31: {  	[sflag:s23] =	ssyncset.done $0x0  }
0x32: {  	[sflag:s23] =	ssyncadd.s32 $0xFFFFC000  }
0x33: {  	[spmem:s2] =	stream.indirect.scatter.add.f32 [tilespmem:s21], [sflag:$0x4], $0x80, s20, s17, $0xb8;
	[tilespmem:$0x1C200] =	vst v63  }
0x34: {  	_ =	swait.ge [sflag:s24], $0x4000  }
0x35: {  	s28 =	sadd.s32 $0x0, s13;
	[sflag:s24] =	ssyncset.done $0x0  }
0x36: {  	s29 =	sadd.s32 $0x20, s28;
	[sflag:s24] =	ssyncadd.s32 $0xFFFFC000  }
0x37: {  	[tilespmem:s3], [sflag:$0x5] =	stream.linear.gather [hbm4b:s29+s3], $0x80, $0x38;
	[tilespmem:$0x1C200] =	vst v63  }
0x38: {  	_ =	swait.ge [sflag:s16], $0x80  }
0x39: {  	s31 =	sadd.s32 $0x0, s14;
	[sflag:s16] =	ssyncset.done $0x0  }
0x3a: {  	s30 =	sadd.s32 $0x20, s31;
	[sflag:s16] =	ssyncadd.s32 $0xFFFFFF80  }
0x3b: {  	[tilespmem:s17], [sflag:$0x5] =	stream.linear.gather [hbm4b:s30+s3], $0x80, $0x38;
	[tilespmem:$0x1C200] =	vst v63  }
0x3c: {  	_ =	swait.ge [sflag:s16], $0x80  }
0x3d: {  	[sflag:s16] =	ssyncset.done $0x0  }
0x3e: {  	[sflag:s16] =	ssyncadd.s32 $0xFFFFFF80  }
0x3f: {  	[tilespmem:s18], [sflag:$0x1] =	stream.indirect.gather [hbm4b:s4+s17], $0x80, s3, s17, $0xb8;
	[tilespmem:$0x1C200] =	vst v63  }
0x40: {  	_ =	swait.ge [sflag:s25], $0x4000  }
0x41: {  	[sflag:s25] =	ssyncset.done $0x0  }
0x42: {  	s28 =	sadd.s32 $0x30, s28;
	[sflag:s25] =	ssyncadd.s32 $0xFFFFC000  }
0x43: {  	[tilespmem:s19], [sflag:$0x5] =	stream.linear.gather [hbm4b:s28+s3], $0x80, $0x38;
	[tilespmem:$0x1C200] =	vst v63  }
0x44: {  	_ =	swait.ge [sflag:s16], $0x80  }
0x45: {  	[sflag:s16] =	ssyncset.done $0x0  }
0x46: {  	s28 =	sadd.s32 $0x30, s31;
	[sflag:s16] =	ssyncadd.s32 $0xFFFFFF80  }
0x47: {  	[tilespmem:s20], [sflag:$0x5] =	stream.linear.gather [hbm4b:s28+s3], $0x80, $0x38;
	[tilespmem:$0x1C200] =	vst v63  }
0x48: {  	_ =	swait.ge [sflag:s16], $0x80  }
0x49: {  	[sflag:s16] =	ssyncset.done $0x0  }
0x4a: {  	s28 =	simm.s32 $0x20;
	[sflag:s16] =	ssyncadd.s32 $0xFFFFFF80  }
.LBB2_2:
0x4b: {  	[tilespmem:s21], [sflag:$0x2] =	stream.indirect.gather [hbm4b:s4+s17], $0x80, s19, s17, $0xb8;
	[tilespmem:$0x1C200] =	vst v63  }
0x4c: {  	s29 =	smov.u32 s28  }
0x4d: {  	p0 =	sne.s32 s28, $0x4C0;
	s28 =	sadd.s32 $0x20, s28;
	_ =	swait.ge [sflag:s22], $0x4000  }
0x4e: {  	[sflag:s22] =	ssyncset.done $0x0  }
0x4f: {  	[sflag:s22] =	ssyncadd.s32 $0xFFFFC000  }
0x50: {  	[spmem:s2] =	stream.indirect.scatter.add.f32 [tilespmem:s18], [sflag:$0x3], $0x80, s17, s17, $0xb8;
	[tilespmem:$0x1C200] =	vst v63  }
0x51: {  	_ =	swait.ge [sflag:s23], $0x4000  }
0x52: {  	[sflag:s23] =	ssyncset.done $0x0  }
0x53: {  	[sflag:s23] =	ssyncadd.s32 $0xFFFFC000  }
0x54: {  	[spmem:s2] =	stream.indirect.scatter.add.f32 [tilespmem:s21], [sflag:$0x4], $0x80, s20, s17, $0xb8;
	[tilespmem:$0x1C200] =	vst v63  }
0x55: {  	_ =	swait.ge [sflag:s24], $0x4000  }
0x56: {  	s30 =	sadd.s32 s29, s13;
	[sflag:s24] =	ssyncset.done $0x0  }
0x57: {  	s31 =	sadd.s32 $0x20, s30;
	[sflag:s24] =	ssyncadd.s32 $0xFFFFC000  }
0x58: {  	[tilespmem:s3], [sflag:$0x5] =	stream.linear.gather [hbm4b:s31+s3], $0x80, $0x38;
	[tilespmem:$0x1C200] =	vst v63  }
0x59: {  	_ =	swait.ge [sflag:s16], $0x80  }
0x5a: {  	s29 =	sadd.s32 s29, s14;
	[sflag:s16] =	ssyncset.done $0x0  }
0x5b: {  	s31 =	sadd.s32 $0x20, s29;
	[sflag:s16] =	ssyncadd.s32 $0xFFFFFF80  }
0x5c: {  	[tilespmem:s17], [sflag:$0x5] =	stream.linear.gather [hbm4b:s31+s3], $0x80, $0x38;
	[tilespmem:$0x1C200] =	vst v63  }
0x5d: {  	_ =	swait.ge [sflag:s16], $0x80  }
0x5e: {  	[sflag:s16] =	ssyncset.done $0x0  }
0x5f: {  	[sflag:s16] =	ssyncadd.s32 $0xFFFFFF80  }
0x60: {  	[tilespmem:s18], [sflag:$0x1] =	stream.indirect.gather [hbm4b:s4+s17], $0x80, s3, s17, $0xb8;
	[tilespmem:$0x1C200] =	vst v63  }
0x61: {  	_ =	swait.ge [sflag:s25], $0x4000  }
0x62: {  	[sflag:s25] =	ssyncset.done $0x0  }
0x63: {  	s30 =	sadd.s32 $0x30, s30;
	[sflag:s25] =	ssyncadd.s32 $0xFFFFC000  }
0x64: {  	[tilespmem:s19], [sflag:$0x5] =	stream.linear.gather [hbm4b:s30+s3], $0x80, $0x38;
	[tilespmem:$0x1C200] =	vst v63  }
0x65: {  	_ =	swait.ge [sflag:s16], $0x80  }
0x66: {  	[sflag:s16] =	ssyncset.done $0x0  }
.Ltmp0:
0x67: {  	s29 =	sadd.s32 $0x30, s29;
	[sflag:s16] =	ssyncadd.s32 $0xFFFFFF80;
	(pc) =	sbr.rel @p0 .LBB2_2-.Ltmp0, $4  }
0x68: {  	[tilespmem:s20], [sflag:$0x5] =	stream.linear.gather [hbm4b:s29+s3], $0x80, $0x38;
	[tilespmem:$0x1C200] =	vst v63  }
0x69: {  	_ =	swait.ge [sflag:s16], $0x80  }
0x6a: {  	[sflag:s16] =	ssyncset.done $0x0  }
0x6b: {  	[sflag:s16] =	ssyncadd.s32 $0xFFFFFF80  }
0x6c: {  	[tilespmem:s21], [sflag:$0x2] =	stream.indirect.gather [hbm4b:s4+s17], $0x80, s19, s17, $0xb8;
	[tilespmem:$0x1C200] =	vst v63  }
0x6d: {  	_ =	swait.ge [sflag:s22], $0x4000  }
0x6e: {  	[sflag:s22] =	ssyncset.done $0x0  }
0x6f: {  	[sflag:s22] =	ssyncadd.s32 $0xFFFFC000  }
0x70: {  	[spmem:s2] =	stream.indirect.scatter.add.f32 [tilespmem:s18], [sflag:$0x5], $0x80, s17, s17, $0xb8;
	[tilespmem:$0x1C200] =	vst v63  }
0x71: {  	_ =	swait.ge [sflag:s16], $0x4000  }
0x72: {  	[sflag:s16] =	ssyncset.done $0x0  }
0x73: {  	[sflag:s16] =	ssyncadd.s32 $0xFFFFC000  }
0x74: {  	_ =	swait.ge [sflag:s23], $0x4000  }
0x75: {  	[sflag:s23] =	ssyncset.done $0x0  }
0x76: {  	[sflag:s23] =	ssyncadd.s32 $0xFFFFC000  }
0x77: {  	[spmem:s2] =	stream.indirect.scatter.add.f32 [tilespmem:s21], [sflag:$0x5], $0x80, s20, s17, $0xb8;
	[tilespmem:$0x1C200] =	vst v63  }
0x78: {  	_ =	swait.ge [sflag:s16], $0x4000  }
0x79: {  	s26 =	sadd.s32 $0x1, s26;
	[sflag:s16] =	ssyncset.done $0x0  }
0x7a: {  	p0 =	sne.s32 s26, s12;
	[sflag:s16] =	ssyncadd.s32 $0xFFFFC000  }
.Ltmp1:
0x7b: {  	[bflag:$0x0] =	sbarrier.arrive $0xFFFF;
	(pc) =	sbr.rel @p0 .LBB2_1-.Ltmp1, $4  }
0x7c: {  	[hbm:s11], [sflag:s6] =	dma.local [spmem:s15], $0x2800  }
0x7d: {  	_ =	swait.ge [sflag:s16], $0x2800  }
0x7e: {  	[sflag:s16] =	ssyncset.done $0x0  }
0x7f: {  	[sflag:s16] =	ssyncadd.s32 $0xFFFFD800  }
0x80: {  	_ =	sfence.sel $0x180000  }
0x81: {  	[bflag:$0x0] =	sbarrier.arrive $0xFFFF  }
0x82: {  	p0 =	sne.s32 s1, $0x0;
	_ =	strace $0x9000004D  }
0x83: {  	s0 =	sadd.s32 @!p0 $0x100000, s0;
	[bflag:$0x2] =	sbarrier.arrive $0xFFFF  }
0x84: {  	[sflag:s0] =	ssyncadd.tile.s32 @!p0 $0x1;
	_ =	shalt  }
.Lfunc_end2:
_tile_overlayer_lowered:
.L_overlay_start_2:
0x85: {  	(tag) =	ssettag $0x2  }
0x86: {  	s0 =	rddreg [dreg:$0x0];
	s2 =	stileid.u32  }
0x87: {  	s1 =	rddreg [dreg:$0x1];
	p0 =	sne.s32 s2, $0x0  }
0x88: {  	s3 =	rddreg [dreg:$0x2];
	[bflag:$0x3] =	sbarrier.arrive $0xFFFF;
	s2 =	simm.s32 @!p0 $0x1C05  }
0x89: {  	[timem:s3], [sflag:s2] =	dma.local @!p0 [hbm:s0], s1  }
0x8a: {  	s0 =	simm.s32 @!p0 $0x5  }
0x8b: {  	_ =	swait.ge @!p0 [sflag:s0], s1  }
0x8c: {  	s1 =	ssub.s32 @!p0 $0x0, s1;
	[sflag:s0] =	ssyncset.done @!p0 $0x0  }
0x8d: {  	[sflag:s0] =	ssyncadd.s32 @!p0 s1  }
0x8e: {  	[bflag:$0x3] =	sbarrier.arrive $0xFFFF  }
0x8f: {  	_ =	shalt  }

// kernel: kernel.8.cloned.1.call-start
scs
__scs_entry_jumppad:
0x0: {  	(pc) =	sbr.rel $0x88, $3  }
0x1: {  	(tag) =	ssettag $0x0;
	lr =	simm.s32 $0x1  }
0x2: {  	[smem:$0x3F98] =	sst lr;
	_ =	strace $0xD0000000  }
0x3: {  	_ = 	snop  }
0x4: {  	_ = 	snop  }
0x5: {  	_ = 	snop  }
0x6: {  	_ = 	snop  }
0x7: {  	_ = 	snop  }
__scs_overlays_trampoline_lowered:
0x8: {  	[smem:$0x3FA7] =	sst s0  }
0x9: {  	[smem:$0x3FA8] =	sst s1  }
0xa: {  	[smem:$0x3FA9] =	sst s2  }
0xb: {  	[smem:$0x3FAA] =	sst s3  }
0xc: {  	[smem:$0x3FAB] =	sst s4  }
0xd: {  	[smem:$0x3FAC] =	sst s5  }
0xe: {  	[smem:$0x3FAD] =	sst s6  }
0xf: {  	[smem:$0x3FAE] =	sst s7  }
0x10: {  	[smem:$0x3FAF] =	sst s8  }
0x11: {  	[smem:$0x3FB0] =	sst s9;
	s0 =	simm.s32 @!p0 $0x0  }
0x12: {  	s1 =	sld [smem:$0x3F96];
	s0 =	simm.s32 @p0 $0x1  }
0x13: {  	[smem:$0x3FB1] =	sst s0;
	s0 =	simm.s32 @!p1 $0x0  }
0x14: {  	s2 =	sld [smem:$0x3F95];
	s0 =	simm.s32 @p1 $0x1  }
0x15: {  	[smem:$0x3FB2] =	sst s0;
	s0 =	simm.s32 @!p2 $0x0  }
0x16: {  	s3 =	sld [smem:$0x3FDB];
	s0 =	simm.s32 @p2 $0x1  }
0x17: {  	s4 =	simm.s32 $0x1BF5;
	[smem:$0x3FB4] =	sst s0  }
0x18: {  	s0 =	sld [smem:$0x3F97];
	_ =	swait.ge [sflag:s4], $0x0  }
0x19: {  	s7 =	sld [smem:$0x3F98]  }
0x1a: {  	s8 =	sadd.s32 $0xFFFFE003, lr  }
0x1b: {  	s9 =	sadd.s32 $0xFFFFFEF7, lr;
	s5 =	simm.s32 $0xFFFFFFFF;
	p2 =	slt.u32 s8, $0xFFFFF086  }
0x1c: {  	p1 =	slt.u32 s9, $0xF7A;
	s5 =	simm.s32 @!p2 $0x0  }
0x1d: {  	s5 =	simm.s32 @p1 $0x1;
	p0 =	seq.s32 s7, s2  }
0x1e: {  	s7 =	smul.u32 @!p0 $0xF7A, s2;
	p2 =	seq.s32 @!p0 s5, $0x0  }
0x1f: {  	s9 =	smul.u32 $0xF7A, s1;
	s8 =	simm.s32 @!p0 $0x1BF5;
	p2 =	por !p2, p0  }
0x20: {  	[sflag:s8] =	ssyncset.s32 @!p0 $0xFFFFF086;
	s6 =	sadd.s32 @!p0 s3, s7;
	s7 =	simm.s32 @!p0 $0x108  }
0x21: {  	s3 =	sadd.s32 s3, s9;
	s6 =	sadd.s32 @!p0 $0x88, s6;
	s7 =	simm.s32 @p2 $0x1082  }
0x22: {  	[simem:s7], [sflag:s8] =	dma.local @!p0 [hbm:s6], $0xF7A  }
0x23: {  	s9 =	sor.u32 $0xD0000000, s2;
	s6 =	simm.s32 $0x108;
	_ =	swait.ge @!p0 [sflag:s8], $0x0  }
0x24: {  	s3 =	sadd.s32 $0x88, s3;
	s6 =	simm.s32 @!p1 $0x1082;
	[sflag:s4] =	ssyncset.s32 $0xFFFFF086  }
0x25: {  	[simem:s6], [sflag:s4] =	dma.local [hbm:s3], $0xF7A  }
0x26: {  	[smem:$0x3F98] =	sst s1;
	(tag) =	ssettag s2;
	_ =	strace s9  }
0x27: {  	s1 =	sld [smem:$0x3FA8]  }
0x28: {  	s2 =	sld [smem:$0x3FA9]  }
0x29: {  	s4 =	sld [smem:$0x3FAB]  }
0x2a: {  	p0 =	seq.s32 s5, $0x0;
	s5 =	sld [smem:$0x3FAC]  }
0x2b: {  	s6 =	sld [smem:$0x3FAD]  }
0x2c: {  	s7 =	sld [smem:$0x3FAE]  }
0x2d: {  	s3 =	simm.s32 $0x108;
	s8 =	sld [smem:$0x3FAF]  }
0x2e: {  	s3 =	simm.s32 @!p0 $0x1082;
	s9 =	sld [smem:$0x3FB0]  }
0x2f: {  	lr =	sadd.s32 s0, s3;
	s0 =	sld [smem:$0x3FA7]  }
0x30: {  	s3 =	sld [smem:$0x3FAA]  }
0x31: {  	[smem:$0x3FB3] =	sst s10  }
0x32: {  	s10 =	sld [smem:$0x3FB1];
	_ =	sdelay $0x3  }
0x33: {  	p0 =	seq.s32 s10, $0x1;
	s10 =	sld [smem:$0x3FB3];
	_ =	sdelay $0x3  }
0x34: {  	[smem:$0x3FB3] =	sst s10  }
0x35: {  	s10 =	sld [smem:$0x3FB2];
	_ =	sdelay $0x3  }
0x36: {  	p1 =	seq.s32 s10, $0x1;
	s10 =	sld [smem:$0x3FB3];
	_ =	sdelay $0x3  }
0x37: {  	[smem:$0x3FB3] =	sst s10  }
0x38: {  	s10 =	sld [smem:$0x3FB4]  }
0x39: {  	_ = 	snop;
	(pc) =	sbr.ind lr, $3  }
0x3a: {  	_ = 	snop  }
0x3b: {  	_ = 	snop  }
0x3c: {  	p2 =	seq.s32 s10, $0x1;
	s10 =	sld [smem:$0x3FB3]  }
0x3d: {  	_ =	shalt  }
0x3e: {  	_ =	shalt  }
0x3f: {  	_ =	shalt  }
0x40: {  	_ =	shalt  }
0x41: {  	_ =	shalt  }
0x42: {  	_ =	shalt  }
0x43: {  	_ =	shalt  }
0x44: {  	_ =	shalt  }
0x45: {  	_ =	shalt  }
0x46: {  	_ =	shalt  }
0x47: {  	_ =	shalt  }
0x48: {  	_ =	shalt  }
0x49: {  	_ =	shalt  }
0x4a: {  	_ =	shalt  }
0x4b: {  	_ =	shalt  }
0x4c: {  	_ =	shalt  }
0x4d: {  	_ =	shalt  }
0x4e: {  	_ =	shalt  }
0x4f: {  	_ =	shalt  }
0x50: {  	_ =	shalt  }
0x51: {  	_ =	shalt  }
0x52: {  	_ =	shalt  }
0x53: {  	_ =	shalt  }
0x54: {  	_ =	shalt  }
0x55: {  	_ =	shalt  }
0x56: {  	_ =	shalt  }
0x57: {  	_ =	shalt  }
0x58: {  	_ =	shalt  }
0x59: {  	_ =	shalt  }
0x5a: {  	_ =	shalt  }
0x5b: {  	_ =	shalt  }
0x5c: {  	_ =	shalt  }
0x5d: {  	_ =	shalt  }
0x5e: {  	_ =	shalt  }
0x5f: {  	_ =	shalt  }
0x60: {  	_ =	shalt  }
0x61: {  	_ =	shalt  }
0x62: {  	_ =	shalt  }
0x63: {  	_ =	shalt  }
0x64: {  	_ =	shalt  }
0x65: {  	_ =	shalt  }
0x66: {  	_ =	shalt  }
0x67: {  	_ =	shalt  }
0x68: {  	_ =	shalt  }
0x69: {  	_ =	shalt  }
0x6a: {  	_ =	shalt  }
0x6b: {  	_ =	shalt  }
0x6c: {  	_ =	shalt  }
0x6d: {  	_ =	shalt  }
0x6e: {  	_ =	shalt  }
0x6f: {  	_ =	shalt  }
0x70: {  	_ =	shalt  }
0x71: {  	_ =	shalt  }
0x72: {  	_ =	shalt  }
0x73: {  	_ =	shalt  }
0x74: {  	_ =	shalt  }
0x75: {  	_ =	shalt  }
0x76: {  	_ =	shalt  }
0x77: {  	_ =	shalt  }
0x78: {  	_ =	shalt  }
0x79: {  	_ =	shalt  }
0x7a: {  	_ =	shalt  }
0x7b: {  	_ =	shalt  }
0x7c: {  	_ =	shalt  }
0x7d: {  	_ =	shalt  }
0x7e: {  	_ =	shalt  }
0x7f: {  	_ =	shalt  }
0x80: {  	_ =	shalt  }
0x81: {  	_ =	shalt  }
0x82: {  	_ =	shalt  }
0x83: {  	_ =	shalt  }
0x84: {  	_ =	shalt  }
0x85: {  	_ =	shalt  }
0x86: {  	_ =	shalt  }
0x87: {  	_ =	shalt  }
.Lfunc_end0:
.L_simem_size_0:
called_computation_lowered:
.L_overlay_start_0:
0x88: {  	s2 =	sld [smem:$0x3FD9]  }
0x89: {  	s3 =	sld [smem:$0x3FFE];
	_ =	sdelay $0x1  }
0x8a: {  	s1 =	srdreg.scid  }
0x8b: {  	s0 =	sand.u32 $0x1, s1  }
0x8c: {  	s16 =	sshll.u32 s0, $0xA;
	s2 =	sadd.s32 s3, s2  }
0x8d: {  	s2 =	sadd.s32 s2, s16  }
0x8e: {  	[smem:$0x3FBF] =	sst s2  }
0x8f: {  	_ = 	snop  }
0x90: {  	(tm) =	ssettm $0x1  }
0x91: {  	s17 =	sld [smem:$0x3FFB];
	_ =	sdelay $0x3  }
0x92: {  	_ =	strace s17  }
0x93: {  	s2 =	sld [smem:$0x3FFC];
	_ =	sdelay $0x3  }
0x94: {  	_ =	strace s2  }
0x95: {  	s2 =	sld [smem:$0x3FFD];
	_ =	sdelay $0x3  }
0x96: {  	_ =	strace s2  }
0x97: {  	_ =	strace $0x8FFFFFFF  }
0x98: {  	s18 =	sld [smem:$0x3FDB];
	_ =	sdelay $0x1  }
0x99: {  	s19 =	simm.s32 $_scs_section_size  }
0x9a: {  	s4 =	simm.s32 $_size__tile_overlayer_lowered;
	s5 =	simm.s32 $_tile_overlayer_lowered  }
0x9b: {  	s22 =	simm.s32 $0x1BFF;
	s21 =	sshll.u32 s5, $0x1;
	s2 =	sadd.s32 s19, s18  }
0x9c: {  	s6 =	simm.s32 $0x0;
	s20 =	sshll.u32 s4, $0x1;
	s4 =	sadd.s32 s21, s2  }
0x9d: {  	[timem:s6], [sflag:s22] =	dma.local [hbm:s4], s20  }
0x9e: {  	_ =	swait.ge [sflag:s22], s20  }
0x9f: {  	s3 =	ssub.s32 $0x0, s20;
	[sflag:s22] =	ssyncset.done $0x0  }
0xa0: {  	[sflag:s22] =	ssyncadd.s32 s3;
	_ =	sdelay $0x1  }
0xa1: {  	s23 =	simm.s32 $0x1B8B  }
0xa2: {  	_ =	swait.ge [sflag:s23], $0x1  }
0xa3: {  	[sflag:s23] =	ssyncset.done $0x0  }
0xa4: {  	s25 =	simm.s32 $0x1B8E;
	s24 =	sld [smem:$0x3FFE];
	[sflag:s23] =	ssyncadd.s32 $0xFFFFFFFF  }
0xa5: {  	s26 =	simm.s32 $execute0_lowered;
	[smem:$0x3FD2] =	sst s25  }
0xa6: {  	s4 =	sshll.u32 s26, $0x1;
	_ =	strace $0x80000046;
	[dreg:$0x1] =	wrdreg $0xFFFFFFFF  }
0xa7: {  	s28 =	simm.s32 $_size_execute0_lowered;
	s2 =	sadd.s32 s2, s4;
	[dreg:$0x0] =	wrdreg $0x0  }
0xa8: {  	s4 =	sshll.u32 s28, $0x1;
	[dreg:$0x2] =	wrdreg s2  }
0xa9: {  	[dreg:$0x3] =	wrdreg s4  }
0xaa: {  	[dreg:$0x4] =	wrdreg $0xC0  }
0xab: {  	_ =	task [dreg:s6], $0x5FFFF  }
0xac: {  	[dreg:$0x1] =	wrdreg $0xFFFFFFFF  }
0xad: {  	[dreg:$0x0] =	wrdreg $0x60  }
0xae: {  	[dreg:$0x2] =	wrdreg s24  }
0xaf: {  	[dreg:$0x3] =	wrdreg $0x41000  }
0xb0: {  	[dreg:$0x4] =	wrdreg $0x9  }
0xb1: {  	_ =	task.clear_ibuf [dreg:s6], $0x5FFFF;
	_ =	strace $0x90000046  }
0xb2: {  	s29 =	simm.s32 $0x9;
	_ =	strace $0x80000048  }
0xb3: {  	_ =	swait.ge [sflag:s29], $0x1  }
0xb4: {  	[sflag:s29] =	ssyncadd.s32 $0xFFFFFFFF  }
0xb5: {  	_ =	strace $0x90000048  }
0xb6: {  	_ =	sfence  }
0xb7: {  	s30 =	sld [smem:$0x0];
	_ =	sdelay $0x2  }
0xb8: {  	s31 =	sshll.u32 s1, $0xD;
	s1 =	sshrl.u32 s1, $0x2  }
0xb9: {  	s3 =	sand.u32 $0x4000, s31;
	s1 =	sadd.s32 s1, s30  }
0xba: {  	s0 =	sor.u32 s3, s0;
	s1 =	sshll.u32 s1, $0x11  }
0xbb: {  	s0 =	sor.u32 s1, s0  }
0xbc: {  	s0 =	sadd.s32 $0x8F2B, s0  }
0xbd: {  	[sflag:s0] =	ssyncadd.remote.s32 $0x1  }
0xbe: {  	_ =	sfence.sel $0xFFFF  }
0xbf: {  	[dreg:$0x0] =	wrdreg $0xFFFFFFFF;
	(pc) =	sbr.abs _section_cstart, $3  }
0xc0: {  	[dreg:$0x1] =	wrdreg $0xFFFFFFFF  }
0xc1: {  	_ =	task.clear_ibuf [dreg:s6], $0x2FFFF;
	_ =	strace $0x9FFFFFFF  }
0xc2: {  	(tm) =	ssettm $0x7FFFFFFF  }
0xc3: {  	_ =	shalt  }
tec
execute0_lowered:
.L_overlay_start_1:
0x0: {  	(tag) =	ssettag $0x1  }
0x1: {  	s6 =	rddreg [dreg:$0x0]  }
0x2: {  	s1 =	rddreg [dreg:$0x1]  }
0x3: {  	s0 =	rddreg [dreg:$0x2]  }
0x4: {  	s2 =	simm.s32 $0x0;
	s5 =	srdreg.scid;
	s3 =	stileid.u32  }
0x5: {  	s15 =	simm.s32 $0x80;
	s16 =	simm.s32 $0x1;
	s17 =	simm.s32 $0x2  }
0x6: {  	s18 =	simm.s32 $0x0;
	[smem:$0x7FF] =	sst s2;
	s9 =	smul.u32 $0x2800, s3  }
0x7: {  	s8 =	sadd.s32 $0x3C00, s6;
	s4 =	sadd.s32 $0x1A400, s6;
	s13 =	smul.u32 $0x50000, s3  }
0x8: {  	s7 =	sand.u32 $0x1, s5;
	s5 =	sadd.s32 $0x17C00, s6;
	s29 =	smul.u32 $0xA00, s3  }
0x9: {  	s11 =	sshll.u32 s3, $0x1;
	s31 =	sshll.u32 s3, $0x6;
	s10 =	smul.u32 $0x28000, s7  }
0xa: {  	s12 =	ssub.s32 $0x2, s7;
	s11 =	sor.u32 s7, s11;
	s30 =	smul.u32 $0x500, s7  }
0xb: {  	_ =	strace $0x80000047;
	s28 =	sshrl.u32 s12, $0x1;
	s11 =	smul.u32 $0x500, s11  }
0xc: {  	s13 =	sshrl.u32 s13, $0x2;
	s9 =	sadd.s32 s9, s10;
	s10 =	ssub.s32 s12, s28  }
0xd: {  	s14 =	sadd.s32 s13, s1;
	s12 =	sadd.s32 s29, s8;
	s13 =	sor.u32 $0x1C03, s31  }
0xe: {  	s9 =	sadd.s32 s9, s6;
	s6 =	sadd.s32 s8, s11;
	s11 =	simm.s32 $0x100  }
0xf: {  	s14 =	sshrl.u32 s14, $0x3;
	s7 =	sadd.s32 $0x10, s6;
	s8 =	sadd.s32 $0x1AC00, s9  }
0x10: {  	s9 =	smax.u32 s10, $0x1;
	s10 =	sadd.s32 s30, s12;
	s12 =	simm.s32 $0x3  }
.LBB2_1:
0x11: {  	[tilespmem:s11], [sflag:$0x3] =	stream.linear.gather [hbm4b:s4+s2], $0x4000, $0x38;
	[tilespmem:$0x18100] =	vst v63  }
0x12: {  	_ =	swait.ge [sflag:s12], $0x4000  }
0x13: {  	[sflag:s12] =	ssyncset.done $0x0  }
0x14: {  	[sflag:s12] =	ssyncadd.s32 $0xFFFFC000  }
0x15: {  	[spmem:s14], [sflag:s13] =	dma.local [hbm:s5], $0x2800  }
0x16: {  	_ =	swait.ge [sflag:s12], $0x2800  }
0x17: {  	[sflag:s12] =	ssyncset.done $0x0  }
0x18: {  	[sflag:s12] =	ssyncadd.s32 $0xFFFFD800  }
0x19: {  	[bflag:$0x0] =	sbarrier.arrive $0xFFFF  }
0x1a: {  	[tilespmem:s2], [sflag:$0x3] =	stream.linear.gather [hbm4b:s6+s2], $0x80, $0x38;
	[tilespmem:$0x18100] =	vst v63  }
0x1b: {  	_ =	swait.ge [sflag:s12], $0x80  }
0x1c: {  	[sflag:s12] =	ssyncset.done $0x0  }
0x1d: {  	[sflag:s12] =	ssyncadd.s32 $0xFFFFFF80  }
0x1e: {  	[tilespmem:s15], [sflag:$0x3] =	stream.linear.gather [hbm4b:s7+s2], $0x80, $0x38;
	[tilespmem:$0x18100] =	vst v63  }
0x1f: {  	_ =	swait.ge [sflag:s12], $0x80  }
0x20: {  	[sflag:s12] =	ssyncset.done $0x0  }
0x21: {  	[sflag:s12] =	ssyncadd.s32 $0xFFFFFF80  }
0x22: {  	[spmem:s1] =	stream.indirect.scatter.add.f32 [tilespmem:s11], [sflag:$0x1], $0x80, s2, s15, $0xb8;
	[tilespmem:$0x18100] =	vst v63  }
0x23: {  	_ = 	snop  }
0x24: {  	[spmem:s1] =	stream.indirect.scatter.add.f32 [tilespmem:s11], [sflag:$0x2], $0x80, s15, s15, $0xb8;
	[tilespmem:$0x18100] =	vst v63  }
0x25: {  	_ =	swait.ge [sflag:s16], $0x4000  }
0x26: {  	s19 =	sadd.s32 $0xFFFFFB20, s10;
	[sflag:s16] =	ssyncset.done $0x0  }
0x27: {  	s20 =	sadd.s32 $0x500, s19;
	[sflag:s16] =	ssyncadd.s32 $0xFFFFC000  }
0x28: {  	[tilespmem:s2], [sflag:$0x3] =	stream.linear.gather [hbm4b:s20+s2], $0x80, $0x38;
	[tilespmem:$0x18100] =	vst v63  }
0x29: {  	_ =	swait.ge [sflag:s12], $0x80  }
0x2a: {  	[sflag:s12] =	ssyncset.done $0x0  }
0x2b: {  	[sflag:s12] =	ssyncadd.s32 $0xFFFFFF80  }
0x2c: {  	_ =	swait.ge [sflag:s17], $0x4000  }
0x2d: {  	[sflag:s17] =	ssyncset.done $0x0  }
0x2e: {  	s19 =	sadd.s32 $0x510, s19;
	[sflag:s17] =	ssyncadd.s32 $0xFFFFC000  }
0x2f: {  	[tilespmem:s15], [sflag:$0x3] =	stream.linear.gather [hbm4b:s19+s2], $0x80, $0x38;
	[tilespmem:$0x18100] =	vst v63  }
0x30: {  	_ =	swait.ge [sflag:s12], $0x80  }
0x31: {  	s19 =	simm.s32 $0xFFFFFB40;
	[sflag:s12] =	ssyncset.done $0x0  }
.LBB2_2:
0x32: {  	p0 =	sne.s32 s19, $0xFFFFFFE0  }
0x33: {  	[sflag:s12] =	ssyncadd.s32 $0xFFFFFF80;
	s20 =	smov.u32 s19;
	s19 =	sadd.s32 $0x20, s19  }
0x34: {  	[spmem:s1] =	stream.indirect.scatter.add.f32 [tilespmem:s11], [sflag:$0x1], $0x80, s2, s15, $0xb8;
	[tilespmem:$0x18100] =	vst v63  }
0x35: {  	_ = 	snop  }
0x36: {  	[spmem:s1] =	stream.indirect.scatter.add.f32 [tilespmem:s11], [sflag:$0x2], $0x80, s15, s15, $0xb8;
	[tilespmem:$0x18100] =	vst v63  }
0x37: {  	_ =	swait.ge [sflag:s16], $0x4000  }
0x38: {  	s20 =	sadd.s32 s20, s10;
	[sflag:s16] =	ssyncset.done $0x0  }
0x39: {  	s21 =	sadd.s32 $0x500, s20;
	[sflag:s16] =	ssyncadd.s32 $0xFFFFC000  }
0x3a: {  	[tilespmem:s2], [sflag:$0x3] =	stream.linear.gather [hbm4b:s21+s2], $0x80, $0x38;
	[tilespmem:$0x18100] =	vst v63  }
0x3b: {  	_ =	swait.ge [sflag:s12], $0x80  }
0x3c: {  	[sflag:s12] =	ssyncset.done $0x0  }
0x3d: {  	[sflag:s12] =	ssyncadd.s32 $0xFFFFFF80  }
0x3e: {  	_ =	swait.ge [sflag:s17], $0x4000  }
.Ltmp0:
0x3f: {  	[sflag:s17] =	ssyncset.done $0x0;
	(pc) =	sbr.rel @p0 .LBB2_2-.Ltmp0, $4  }
0x40: {  	s20 =	sadd.s32 $0x510, s20;
	[sflag:s17] =	ssyncadd.s32 $0xFFFFC000  }
0x41: {  	[tilespmem:s15], [sflag:$0x3] =	stream.linear.gather [hbm4b:s20+s2], $0x80, $0x38;
	[tilespmem:$0x18100] =	vst v63  }
0x42: {  	_ =	swait.ge [sflag:s12], $0x80  }
0x43: {  	[sflag:s12] =	ssyncset.done $0x0  }
0x44: {  	[sflag:s12] =	ssyncadd.s32 $0xFFFFFF80  }
0x45: {  	[spmem:s1] =	stream.indirect.scatter.add.f32 [tilespmem:s11], [sflag:$0x3], $0x80, s2, s15, $0xb8;
	[tilespmem:$0x18100] =	vst v63  }
0x46: {  	_ =	swait.ge [sflag:s12], $0x4000  }
0x47: {  	[sflag:s12] =	ssyncset.done $0x0  }
0x48: {  	[sflag:s12] =	ssyncadd.s32 $0xFFFFC000  }
0x49: {  	[spmem:s1] =	stream.indirect.scatter.add.f32 [tilespmem:s11], [sflag:$0x3], $0x80, s15, s15, $0xb8;
	[tilespmem:$0x18100] =	vst v63  }
0x4a: {  	_ =	swait.ge [sflag:s12], $0x4000  }
0x4b: {  	s18 =	sadd.s32 $0x1, s18;
	[sflag:s12] =	ssyncset.done $0x0  }
0x4c: {  	p0 =	sne.s32 s18, s9;
	[sflag:s12] =	ssyncadd.s32 $0xFFFFC000  }
.Ltmp1:
0x4d: {  	[bflag:$0x0] =	sbarrier.arrive $0xFFFF;
	(pc) =	sbr.rel @p0 .LBB2_1-.Ltmp1, $4  }
0x4e: {  	[hbm:s8], [sflag:s13] =	dma.local [spmem:s14], $0x2800  }
0x4f: {  	_ =	swait.ge [sflag:s12], $0x2800  }
0x50: {  	[sflag:s12] =	ssyncset.done $0x0  }
0x51: {  	[sflag:s12] =	ssyncadd.s32 $0xFFFFD800  }
0x52: {  	_ =	sfence.sel $0x180000  }
0x53: {  	[bflag:$0x0] =	sbarrier.arrive $0xFFFF  }
0x54: {  	p0 =	sne.s32 s3, $0x0;
	_ =	strace $0x90000047  }
0x55: {  	s0 =	sadd.s32 @!p0 $0x100000, s0;
	[bflag:$0x2] =	sbarrier.arrive $0xFFFF  }
0x56: {  	[sflag:s0] =	ssyncadd.tile.s32 @!p0 $0x1;
	_ =	shalt  }
.Lfunc_end2:
_tile_overlayer_lowered:
.L_overlay_start_2:
0x57: {  	(tag) =	ssettag $0x2  }
0x58: {  	s0 =	rddreg [dreg:$0x0];
	s2 =	stileid.u32  }
0x59: {  	s1 =	rddreg [dreg:$0x1];
	p0 =	sne.s32 s2, $0x0  }
0x5a: {  	s3 =	rddreg [dreg:$0x2];
	[bflag:$0x3] =	sbarrier.arrive $0xFFFF;
	s2 =	simm.s32 @!p0 $0x1C03  }
0x5b: {  	[timem:s3], [sflag:s2] =	dma.local @!p0 [hbm:s0], s1  }
0x5c: {  	s0 =	simm.s32 @!p0 $0x3  }
0x5d: {  	_ =	swait.ge @!p0 [sflag:s0], s1  }
0x5e: {  	s1 =	ssub.s32 @!p0 $0x0, s1;
	[sflag:s0] =	ssyncset.done @!p0 $0x0  }
0x5f: {  	[sflag:s0] =	ssyncadd.s32 @!p0 s1  }
0x60: {  	[bflag:$0x3] =	sbarrier.arrive $0xFFFF  }
0x61: {  	_ =	shalt  }

</sc_bundles>
